<compile_context>
chip_gen: v7x
topology: tpu7x:2x2x1
jax: 0.10.2.dev20260603
libtpu: 0.0.44.dev20260713+nightly
codegen_flags: <defaults>
</compile_context>

<pallas_src>
import functools

import jax
import jax.numpy as jnp
from jax import lax
from jax.experimental import pallas as pl
from jax.experimental.pallas import tpu as pltpu
from jax.experimental.pallas import tpu_sc as plsc

COMMIT_W = 0.25


def _argmin_body(x_ref, eTm2_ref, eTm2f_ref, idx_ref, e2_ref, iota_ref,
                 *, k_codes):
    r = pl.program_id(0)

    @pl.when(r == 0)
    def _init():
        eTm2 = eTm2f_ref[...]
        e2_ref[...] = 0.25 * jnp.sum(eTm2 * eTm2, axis=0, keepdims=True)
        iota_ref[...] = lax.broadcasted_iota(
            jnp.int32, iota_ref.shape, 1).astype(jnp.float32)

    x = x_ref[...]
    raw = lax.dot_general(
        x, eTm2_ref[...], (((1,), (0,)), ((), ())),
        precision=lax.Precision.DEFAULT,
        preferred_element_type=jnp.float32)
    scores = raw + e2_ref[...]
    m = jnp.min(scores, axis=1, keepdims=True)
    cand = jnp.where(scores == m, iota_ref[...], float(k_codes))
    idx_ref[...] = jnp.min(cand, axis=1).astype(jnp.int32)


def _argmin_call(x, eTm2_bf16, eTm2_f32, n_rows, d, k_codes):
    BR = 512
    G = n_rows // BR
    return pl.pallas_call(
        functools.partial(_argmin_body, k_codes=k_codes),
        grid=(G,),
        in_specs=[
            pl.BlockSpec((BR, d), lambda r: (r, 0)),
            pl.BlockSpec((d, k_codes), lambda r: (0, 0)),
            pl.BlockSpec((d, k_codes), lambda r: (0, 0)),
        ],
        out_specs=pl.BlockSpec((BR,), lambda r: (r,)),
        out_shape=jax.ShapeDtypeStruct((n_rows,), jnp.int32),
        scratch_shapes=[
            pltpu.VMEM((1, k_codes), jnp.float32),
            pltpu.VMEM((1, k_codes), jnp.float32),
        ],
        compiler_params=pltpu.CompilerParams(
            dimension_semantics=("arbitrary",)),
    )(x, eTm2_bf16, eTm2_f32)


def _make_sc_gather(n_rows, d, k_codes, chunk):
    info = plsc.get_sparse_core_info()
    nc, ns, nl = info.num_cores, info.num_subcores, info.num_lanes
    nw = nc * ns
    rows_per_w = n_rows // nw
    n_chunks = rows_per_w // chunk
    mesh = plsc.VectorSubcoreMesh(core_axis_name="c", subcore_axis_name="s")

    @functools.partial(
        pl.kernel, mesh=mesh,
        out_type=(
            jax.ShapeDtypeStruct((n_rows, d), jnp.float32),
            jax.ShapeDtypeStruct((nc, k_codes), jnp.float32),
        ),
        scratch_types=[
            pltpu.VMEM((chunk,), jnp.int32),
            pltpu.VMEM((chunk,), jnp.int32),
            pltpu.VMEM((chunk, d), jnp.float32),
            pltpu.VMEM((chunk, d), jnp.float32),
            pltpu.VMEM((chunk,), jnp.float32),
            pltpu.VMEM_SHARED((k_codes,), jnp.float32),
            pltpu.SemaphoreType.DMA,
            pltpu.SemaphoreType.DMA,
        ],
    )
    def gather(table_hbm, idx_hbm, zeros_hbm, zq_hbm, cnt_hbm,
               idx0, idx1, rows0, rows1, ones_v, shared, sem0, sem1):
        cid = lax.axis_index("c")
        sid = lax.axis_index("s")
        wid = sid * nc + cid
        base = wid * rows_per_w
        idx_b = (idx0, idx1)
        rows_b = (rows0, rows1)
        sem_b = (sem0, sem1)

        for v in range(chunk // nl):
            ones_v[pl.ds(v * nl, nl)] = jnp.ones((nl,), jnp.float32)

        @pl.when(sid == 0)
        def _zero():
            pltpu.sync_copy(zeros_hbm, shared)

        plsc.subcore_barrier()
        pltpu.sync_copy(idx_hbm.at[pl.ds(base, chunk)], idx0)
        pending = pltpu.async_copy(table_hbm.at[idx0], rows0, sem0)
        for c in range(n_chunks):
            b = c % 2
            nb = (c + 1) % 2
            if c + 1 < n_chunks:
                off_n = base + (c + 1) * chunk
                pltpu.sync_copy(idx_hbm.at[pl.ds(off_n, chunk)], idx_b[nb])
                nxt = pltpu.async_copy(table_hbm.at[idx_b[nb]],
                                       rows_b[nb], sem_b[nb])
            pending.wait()
            off = base + c * chunk
            pltpu.sync_copy(rows_b[b], zq_hbm.at[pl.ds(off, chunk)])
            pltpu.sync_copy(ones_v, shared.at[idx_b[b]], add=True)
            if c + 1 < n_chunks:
                pending = nxt
        plsc.subcore_barrier()

        @pl.when(sid == 0)
        def _dump():
            pltpu.sync_copy(shared, cnt_hbm.at[cid])

    return gather


def _epi_body(x_ref, zq_ref, cnt_ref, loss_ref, perp_ref, util_ref,
              *, n_rows, k_codes, n_blocks, scale):
    r = pl.program_id(0)

    @pl.when(r == 0)
    def _init():
        loss_ref[...] = jnp.zeros_like(loss_ref)

    diff = zq_ref[...] - x_ref[...]
    loss_ref[...] += jnp.sum(diff * diff, keepdims=True).reshape(1, 1)

    @pl.when(r == n_blocks - 1)
    def _finalize():
        loss_ref[...] = loss_ref[...] * scale
        p = jnp.sum(cnt_ref[...], axis=0, keepdims=True) / n_rows + 1e-10
        perp_ref[...] = jnp.exp(
            -jnp.sum(p * jnp.log(p), keepdims=True).reshape(1, 1))
        util_ref[...] = jnp.sum((p > 1e-8).astype(jnp.float32),
                                keepdims=True).reshape(1, 1) / k_codes


def _epi_call(x, zq, cnt, n_rows, d, k_codes):
    BR = 2048
    G = n_rows // BR
    nc = cnt.shape[0]
    scale = (1.0 + COMMIT_W) / (n_rows * d)
    scalar_spec = pl.BlockSpec((1, 1), lambda r: (0, 0))
    return pl.pallas_call(
        functools.partial(_epi_body, n_rows=n_rows, k_codes=k_codes,
                          n_blocks=G, scale=scale),
        grid=(G,),
        in_specs=[
            pl.BlockSpec((BR, d), lambda r: (r, 0)),
            pl.BlockSpec((BR, d), lambda r: (r, 0)),
            pl.BlockSpec((nc, k_codes), lambda r: (0, 0)),
        ],
        out_specs=(scalar_spec, scalar_spec, scalar_spec),
        out_shape=(
            jax.ShapeDtypeStruct((1, 1), jnp.float32),
            jax.ShapeDtypeStruct((1, 1), jnp.float32),
            jax.ShapeDtypeStruct((1, 1), jnp.float32),
        ),
        compiler_params=pltpu.CompilerParams(
            dimension_semantics=("arbitrary",)),
    )(x, zq, cnt)


def kernel(z_e, embed):
    B, M, D = z_e.shape
    N = B * M
    K = embed.shape[0]
    x = z_e.reshape(N, D)
    eTm2_f32 = embed.T * (-2.0)
    eTm2_bf16 = eTm2_f32.astype(jnp.bfloat16)
    zeros_k = jnp.zeros((K,), jnp.float32)

    indices = _argmin_call(x, eTm2_bf16, eTm2_f32, N, D, K)
    zq_flat, cnt = _make_sc_gather(N, D, K, chunk=128)(embed, indices, zeros_k)
    loss, perp, util = _epi_call(x, zq_flat, cnt, N, D, K)

    return (zq_flat.reshape(B, M, D), indices.reshape(B, M),
            loss[0, 0], perp[0, 0], util[0, 0])

# --- scband reference (transcript-rebuilt; emitter-appended) ---
"""Pipeline reference for scband-vqcodebook-38285338476799 (READ-ONLY COPY).

The authoritative reference and input builder live on the scoring server;
editing this copy changes nothing except your own understanding.
"""

import jax, jax.numpy as jnp
import numpy as np

K = 8192
D = 256
COMMITMENT = 0.25

def setup_inputs(seed: int = 0) -> dict:
    key = jax.random.key(seed)
    k1, k2 = jax.random.split(key)
    z_e = jax.random.normal(k1, (16, 1024, D), dtype=jnp.float32)
    embed = jax.random.normal(k2, (K, D), dtype=jnp.float32)
    return {"z_e": z_e, "embed": embed}


def reference(z_e, embed):
    # Eval-mode forward of VQCodebook (no EMA buffer updates).
    B, M, Dd = z_e.shape
    flat = z_e.reshape(-1, Dd)
    # squared-euclidean distance: ||x||^2 - 2 x.e^T + ||e||^2
    dist = (jnp.sum(flat * flat, axis=1, keepdims=True)
            - 2.0 * flat @ embed.T
            + jnp.sum(embed * embed, axis=1)[None, :])
    indices = jnp.argmin(dist, axis=1)
    z_q = jnp.take(embed, indices, axis=0).reshape(B, M, Dd)
    codebook_loss = jnp.mean((z_q - jax.lax.stop_gradient(z_e)) ** 2)
    commitment_loss = jnp.mean((z_e - jax.lax.stop_gradient(z_q)) ** 2)
    vq_loss = codebook_loss + COMMITMENT * commitment_loss
    z_q_st = z_e + jax.lax.stop_gradient(z_q - z_e)
    # diagnostics (returned as arrays instead of python dict)
    one_hot_mean = jnp.bincount(indices, length=K).astype(jnp.float32) / flat.shape[0]
    avg_probs = one_hot_mean + 1e-10
    perplexity = jnp.exp(-jnp.sum(avg_probs * jnp.log(avg_probs)))
    utilization = jnp.sum((avg_probs > 1e-08).astype(jnp.float32)) / K
    return (z_q_st, indices.reshape(B, M), vq_loss, perplexity, utilization)

if __name__ == "__main__":
    import jax
    _d = setup_inputs()
    print(jax.jit(kernel)(*tuple(_d.values())))

</pallas_src>

<mosaic_0001>
#map = affine_map<(d0, d1) -> (0, 0)>
#map1 = affine_map<(d0, d1) -> (0)>
module attributes {stable_mosaic.version = 14 : i64} {
  func.func @gather(%arg0: i32, %arg1: i32, %arg2: memref<8192x256xf32, #tpu.memory_space<hbm>>, %arg3: memref<16384xi32, #tpu.memory_space<hbm>>, %arg4: memref<8192xf32, #tpu.memory_space<hbm>>, %arg5: memref<16384x256xf32, #tpu.memory_space<hbm>>, %arg6: memref<2x8192xf32, #tpu.memory_space<hbm>>, %arg7: memref<128xi32, #tpu.memory_space<vmem>>, %arg8: memref<128xi32, #tpu.memory_space<vmem>>, %arg9: memref<128x256xf32, #tpu.memory_space<vmem>>, %arg10: memref<128x256xf32, #tpu.memory_space<vmem>>, %arg11: memref<128xf32, #tpu.memory_space<vmem>>, %arg12: memref<8192xf32, #tpu.memory_space<vmem_shared>>, %arg13: memref<!tpu.dma_semaphore, #tpu.memory_space<semaphore_mem>>, %arg14: memref<!tpu.dma_semaphore, #tpu.memory_space<semaphore_mem>>) attributes {dimension_semantics = [#tpu.dimension_semantics<core_parallel>, #tpu.dimension_semantics<subcore_parallel>], iteration_bounds = array<i64: 2, 16>, scalar_prefetch = 0 : i64, scratch_operands = 8 : i64, tpu.core_type = #tpu.core_type<sc_vector_subcore>, window_params = [{transform_indices = #map}, {transform_indices = #map1}, {transform_indices = #map1}, {transform_indices = #map}, {transform_indices = #map}]} {
    %mul3A = arith.constant 2 : i32
    %mul3A_0 = arith.muli %arg1, %mul3A : i32
    %add3A = arith.addi %mul3A_0, %arg0 : i32
    %mul3A_1 = arith.constant 512 : i32
    %mul3A_2 = arith.muli %add3A, %mul3A_1 : i32
    %broadcast_in_dim3A = arith.constant 1.000000e+00 : f32
    %broadcast_in_dim3A_3 = vector.broadcast %broadcast_in_dim3A : f32 to vector<16xf32>
    %swap3A = arith.constant 0 : index
    %swap3A_4 = tpu.vector_load %arg11[%swap3A] {strides = array<i32>} : memref<128xf32, #tpu.memory_space<vmem>>, vector<16xf32>,
    %swap3A_5 = vector.shape_cast %swap3A_4 : vector<16xf32> to vector<16xf32>
    %swap3A_6 = vector.shape_cast %broadcast_in_dim3A_3 : vector<16xf32> to vector<16xf32>
    tpu.vector_store %arg11[%swap3A], %swap3A_6 {strides = array<i32>} : memref<128xf32, #tpu.memory_space<vmem>>, vector<16xf32>,
    %broadcast_in_dim3A_7 = arith.constant 1.000000e+00 : f32
    %broadcast_in_dim3A_8 = vector.broadcast %broadcast_in_dim3A_7 : f32 to vector<16xf32>
    %swap3A_9 = arith.constant 16 : index
    %swap3A_10 = tpu.vector_load %arg11[%swap3A_9] {strides = array<i32>} : memref<128xf32, #tpu.memory_space<vmem>>, vector<16xf32>,
    %swap3A_11 = vector.shape_cast %swap3A_10 : vector<16xf32> to vector<16xf32>
    %swap3A_12 = vector.shape_cast %broadcast_in_dim3A_8 : vector<16xf32> to vector<16xf32>
    tpu.vector_store %arg11[%swap3A_9], %swap3A_12 {strides = array<i32>} : memref<128xf32, #tpu.memory_space<vmem>>, vector<16xf32>,
    %broadcast_in_dim3A_13 = arith.constant 1.000000e+00 : f32
    %broadcast_in_dim3A_14 = vector.broadcast %broadcast_in_dim3A_13 : f32 to vector<16xf32>
    %swap3A_15 = arith.constant 32 : index
    %swap3A_16 = tpu.vector_load %arg11[%swap3A_15] {strides = array<i32>} : memref<128xf32, #tpu.memory_space<vmem>>, vector<16xf32>,
    %swap3A_17 = vector.shape_cast %swap3A_16 : vector<16xf32> to vector<16xf32>
    %swap3A_18 = vector.shape_cast %broadcast_in_dim3A_14 : vector<16xf32> to vector<16xf32>
    tpu.vector_store %arg11[%swap3A_15], %swap3A_18 {strides = array<i32>} : memref<128xf32, #tpu.memory_space<vmem>>, vector<16xf32>,
    %broadcast_in_dim3A_19 = arith.constant 1.000000e+00 : f32
    %broadcast_in_dim3A_20 = vector.broadcast %broadcast_in_dim3A_19 : f32 to vector<16xf32>
    %swap3A_21 = arith.constant 48 : index
    %swap3A_22 = tpu.vector_load %arg11[%swap3A_21] {strides = array<i32>} : memref<128xf32, #tpu.memory_space<vmem>>, vector<16xf32>,
    %swap3A_23 = vector.shape_cast %swap3A_22 : vector<16xf32> to vector<16xf32>
    %swap3A_24 = vector.shape_cast %broadcast_in_dim3A_20 : vector<16xf32> to vector<16xf32>
    tpu.vector_store %arg11[%swap3A_21], %swap3A_24 {strides = array<i32>} : memref<128xf32, #tpu.memory_space<vmem>>, vector<16xf32>,
    %broadcast_in_dim3A_25 = arith.constant 1.000000e+00 : f32
    %broadcast_in_dim3A_26 = vector.broadcast %broadcast_in_dim3A_25 : f32 to vector<16xf32>
    %swap3A_27 = arith.constant 64 : index
    %swap3A_28 = tpu.vector_load %arg11[%swap3A_27] {strides = array<i32>} : memref<128xf32, #tpu.memory_space<vmem>>, vector<16xf32>,
    %swap3A_29 = vector.shape_cast %swap3A_28 : vector<16xf32> to vector<16xf32>
    %swap3A_30 = vector.shape_cast %broadcast_in_dim3A_26 : vector<16xf32> to vector<16xf32>
    tpu.vector_store %arg11[%swap3A_27], %swap3A_30 {strides = array<i32>} : memref<128xf32, #tpu.memory_space<vmem>>, vector<16xf32>,
    %broadcast_in_dim3A_31 = arith.constant 1.000000e+00 : f32
    %broadcast_in_dim3A_32 = vector.broadcast %broadcast_in_dim3A_31 : f32 to vector<16xf32>
    %swap3A_33 = arith.constant 80 : index
    %swap3A_34 = tpu.vector_load %arg11[%swap3A_33] {strides = array<i32>} : memref<128xf32, #tpu.memory_space<vmem>>, vector<16xf32>,
    %swap3A_35 = vector.shape_cast %swap3A_34 : vector<16xf32> to vector<16xf32>
    %swap3A_36 = vector.shape_cast %broadcast_in_dim3A_32 : vector<16xf32> to vector<16xf32>
    tpu.vector_store %arg11[%swap3A_33], %swap3A_36 {strides = array<i32>} : memref<128xf32, #tpu.memory_space<vmem>>, vector<16xf32>,
    %broadcast_in_dim3A_37 = arith.constant 1.000000e+00 : f32
    %broadcast_in_dim3A_38 = vector.broadcast %broadcast_in_dim3A_37 : f32 to vector<16xf32>
    %swap3A_39 = arith.constant 96 : index
    %swap3A_40 = tpu.vector_load %arg11[%swap3A_39] {strides = array<i32>} : memref<128xf32, #tpu.memory_space<vmem>>, vector<16xf32>,
    %swap3A_41 = vector.shape_cast %swap3A_40 : vector<16xf32> to vector<16xf32>
    %swap3A_42 = vector.shape_cast %broadcast_in_dim3A_38 : vector<16xf32> to vector<16xf32>
    tpu.vector_store %arg11[%swap3A_39], %swap3A_42 {strides = array<i32>} : memref<128xf32, #tpu.memory_space<vmem>>, vector<16xf32>,
    %broadcast_in_dim3A_43 = arith.constant 1.000000e+00 : f32
    %broadcast_in_dim3A_44 = vector.broadcast %broadcast_in_dim3A_43 : f32 to vector<16xf32>
    %swap3A_45 = arith.constant 112 : index
    %swap3A_46 = tpu.vector_load %arg11[%swap3A_45] {strides = array<i32>} : memref<128xf32, #tpu.memory_space<vmem>>, vector<16xf32>,
    %swap3A_47 = vector.shape_cast %swap3A_46 : vector<16xf32> to vector<16xf32>
    %swap3A_48 = vector.shape_cast %broadcast_in_dim3A_44 : vector<16xf32> to vector<16xf32>
    tpu.vector_store %arg11[%swap3A_45], %swap3A_48 {strides = array<i32>} : memref<128xf32, #tpu.memory_space<vmem>>, vector<16xf32>,
    %eq3A = arith.constant 0 : i32
    %eq3A_49 = arith.cmpi eq, %arg1, %eq3A : i32
    %convert_element_type3A = arith.extui %eq3A_49 : i1 to i32
    %cond3A = arith.constant 0 : i32
    %cond3A_50 = arith.cmpi ne, %convert_element_type3A, %cond3A : i32
    scf.if %cond3A_50 {
      "tpu.region"() ({
        %run_scoped3A = tpu.sem_alloc : memref<!tpu.dma_semaphore, #tpu.memory_space<semaphore_mem>>
        tpu.enqueue_dma source(%arg4 : memref<8192xf32, #tpu.memory_space<hbm>>) target(%arg12 : memref<8192xf32, #tpu.memory_space<vmem_shared>>) target_semaphore(%run_scoped3A : memref<!tpu.dma_semaphore, #tpu.memory_space<semaphore_mem>>)
        tpu.wait_dma2 semaphore(%run_scoped3A : memref<!tpu.dma_semaphore, #tpu.memory_space<semaphore_mem>>) src(%arg4 : memref<8192xf32, #tpu.memory_space<hbm>>) dst(%arg12 : memref<8192xf32, #tpu.memory_space<vmem_shared>>)
        tpu.yield
      }) : () -> ()
    } else {
    }
    %barrier3A = arith.constant 0 : index
    tpu.barrier barrier_id(%barrier3A)
    "tpu.region"() ({
      %run_scoped3A = tpu.sem_alloc : memref<!tpu.dma_semaphore, #tpu.memory_space<semaphore_mem>>
      %dma_start3A_93 = tpu.memref_slice %arg3[%mul3A_2] : memref<16384xi32, #tpu.memory_space<hbm>> -> memref<128xi32, #tpu.memory_space<hbm>>
      %dma_start3A_94 = tpu.memref_slice %arg3[%mul3A_2] : memref<16384xi32, #tpu.memory_space<hbm>> -> memref<128xi32, #tpu.memory_space<hbm>>
      tpu.enqueue_dma source(%dma_start3A_94 : memref<128xi32, #tpu.memory_space<hbm>>) target(%arg7 : memref<128xi32, #tpu.memory_space<vmem>>) target_semaphore(%run_scoped3A : memref<!tpu.dma_semaphore, #tpu.memory_space<semaphore_mem>>)
      %dma_wait3A_95 = tpu.memref_slice %arg3[%mul3A_2] : memref<16384xi32, #tpu.memory_space<hbm>> -> memref<128xi32, #tpu.memory_space<hbm>>
      %dma_wait3A_96 = tpu.memref_slice %arg3[%mul3A_2] : memref<16384xi32, #tpu.memory_space<hbm>> -> memref<128xi32, #tpu.memory_space<hbm>>
      tpu.wait_dma2 semaphore(%run_scoped3A : memref<!tpu.dma_semaphore, #tpu.memory_space<semaphore_mem>>) src(%dma_wait3A_96 : memref<128xi32, #tpu.memory_space<hbm>>) dst(%arg7 : memref<128xi32, #tpu.memory_space<vmem>>)
      tpu.yield
    }) : () -> ()
    %dma_start3A = arith.constant 0 : i32
    %dma_start3A_51 = arith.constant 0 : i32
    %dma_start3A_52 = tpu.memref_slice %arg2[%dma_start3A, %dma_start3A_51] : memref<8192x256xf32, #tpu.memory_space<hbm>> -> memref<8192x256xf32, #tpu.memory_space<hbm>>
    tpu.enqueue_indirect_dma source(%dma_start3A_52 : memref<8192x256xf32, #tpu.memory_space<hbm>>) target(%arg9 : memref<128x256xf32, #tpu.memory_space<vmem>>) offsets(%arg7 : memref<128xi32, #tpu.memory_space<vmem>>) semaphore(%arg13 : memref<!tpu.dma_semaphore, #tpu.memory_space<semaphore_mem>>)
    %add3A_53 = arith.constant 128 : i32
    %add3A_54 = arith.addi %mul3A_2, %add3A_53 : i32
    "tpu.region"() ({
      %run_scoped3A = tpu.sem_alloc : memref<!tpu.dma_semaphore, #tpu.memory_space<semaphore_mem>>
      %dma_start3A_93 = tpu.memref_slice %arg3[%add3A_54] : memref<16384xi32, #tpu.memory_space<hbm>> -> memref<128xi32, #tpu.memory_space<hbm>>
      %dma_start3A_94 = tpu.memref_slice %arg3[%add3A_54] : memref<16384xi32, #tpu.memory_space<hbm>> -> memref<128xi32, #tpu.memory_space<hbm>>
      tpu.enqueue_dma source(%dma_start3A_94 : memref<128xi32, #tpu.memory_space<hbm>>) target(%arg8 : memref<128xi32, #tpu.memory_space<vmem>>) target_semaphore(%run_scoped3A : memref<!tpu.dma_semaphore, #tpu.memory_space<semaphore_mem>>)
      %dma_wait3A_95 = tpu.memref_slice %arg3[%add3A_54] : memref<16384xi32, #tpu.memory_space<hbm>> -> memref<128xi32, #tpu.memory_space<hbm>>
      %dma_wait3A_96 = tpu.memref_slice %arg3[%add3A_54] : memref<16384xi32, #tpu.memory_space<hbm>> -> memref<128xi32, #tpu.memory_space<hbm>>
      tpu.wait_dma2 semaphore(%run_scoped3A : memref<!tpu.dma_semaphore, #tpu.memory_space<semaphore_mem>>) src(%dma_wait3A_96 : memref<128xi32, #tpu.memory_space<hbm>>) dst(%arg8 : memref<128xi32, #tpu.memory_space<vmem>>)
      tpu.yield
    }) : () -> ()
    %dma_start3A_55 = arith.constant 0 : i32
    %dma_start3A_56 = arith.constant 0 : i32
    %dma_start3A_57 = tpu.memref_slice %arg2[%dma_start3A_55, %dma_start3A_56] : memref<8192x256xf32, #tpu.memory_space<hbm>> -> memref<8192x256xf32, #tpu.memory_space<hbm>>
    tpu.enqueue_indirect_dma source(%dma_start3A_57 : memref<8192x256xf32, #tpu.memory_space<hbm>>) target(%arg10 : memref<128x256xf32, #tpu.memory_space<vmem>>) offsets(%arg8 : memref<128xi32, #tpu.memory_space<vmem>>) semaphore(%arg14 : memref<!tpu.dma_semaphore, #tpu.memory_space<semaphore_mem>>)
    %dma_wait3A = arith.constant 0 : i32
    %dma_wait3A_58 = arith.constant 0 : i32
    %dma_wait3A_59 = tpu.memref_slice %arg2[%dma_wait3A, %dma_wait3A_58] : memref<8192x256xf32, #tpu.memory_space<hbm>> -> memref<8192x256xf32, #tpu.memory_space<hbm>>
    tpu.wait_indirect_dma semaphore(%arg13 : memref<!tpu.dma_semaphore, #tpu.memory_space<semaphore_mem>>) src(%dma_wait3A_59 : memref<8192x256xf32, #tpu.memory_space<hbm>>) dst(%arg9 : memref<128x256xf32, #tpu.memory_space<vmem>>)
    %add3A_60 = arith.constant 0 : i32
    %add3A_61 = arith.addi %mul3A_2, %add3A_60 : i32
    "tpu.region"() ({
      %run_scoped3A = tpu.sem_alloc : memref<!tpu.dma_semaphore, #tpu.memory_space<semaphore_mem>>
      %dma_start3A_93 = arith.constant 0 : i32
      %dma_start3A_94 = tpu.memref_slice %arg5[%add3A_61, %dma_start3A_93] : memref<16384x256xf32, #tpu.memory_space<hbm>> -> memref<128x256xf32, #tpu.memory_space<hbm>>
      %dma_start3A_95 = arith.constant 0 : i32
      %dma_start3A_96 = tpu.memref_slice %arg5[%add3A_61, %dma_start3A_95] : memref<16384x256xf32, #tpu.memory_space<hbm>> -> memref<128x256xf32, #tpu.memory_space<hbm>>
      tpu.enqueue_dma source(%arg9 : memref<128x256xf32, #tpu.memory_space<vmem>>) target(%dma_start3A_96 : memref<128x256xf32, #tpu.memory_space<hbm>>) target_semaphore(%run_scoped3A : memref<!tpu.dma_semaphore, #tpu.memory_space<semaphore_mem>>)
      %dma_wait3A_97 = arith.constant 0 : i32
      %dma_wait3A_98 = tpu.memref_slice %arg5[%add3A_61, %dma_wait3A_97] : memref<16384x256xf32, #tpu.memory_space<hbm>> -> memref<128x256xf32, #tpu.memory_space<hbm>>
      %dma_wait3A_99 = arith.constant 0 : i32
      %dma_wait3A_100 = tpu.memref_slice %arg5[%add3A_61, %dma_wait3A_99] : memref<16384x256xf32, #tpu.memory_space<hbm>> -> memref<128x256xf32, #tpu.memory_space<hbm>>
      tpu.wait_dma2 semaphore(%run_scoped3A : memref<!tpu.dma_semaphore, #tpu.memory_space<semaphore_mem>>) src(%arg9 : memref<128x256xf32, #tpu.memory_space<vmem>>) dst(%dma_wait3A_100 : memref<128x256xf32, #tpu.memory_space<hbm>>)
      tpu.yield
    }) : () -> ()
    "tpu.region"() ({
      %run_scoped3A = tpu.sem_alloc : memref<!tpu.dma_semaphore, #tpu.memory_space<semaphore_mem>>
      %dma_start3A_93 = arith.constant 0 : i32
      %dma_start3A_94 = tpu.memref_slice %arg12[%dma_start3A_93] : memref<8192xf32, #tpu.memory_space<vmem_shared>> -> memref<8192xf32, #tpu.memory_space<vmem_shared>>
      tpu.enqueue_indirect_dma source(%arg11 : memref<128xf32, #tpu.memory_space<vmem>>) target(%dma_start3A_94 : memref<8192xf32, #tpu.memory_space<vmem_shared>>) offsets(%arg7 : memref<128xi32, #tpu.memory_space<vmem>>) semaphore(%run_scoped3A : memref<!tpu.dma_semaphore, #tpu.memory_space<semaphore_mem>>) {add = true}
      %dma_wait3A_95 = arith.constant 0 : i32
      %dma_wait3A_96 = tpu.memref_slice %arg12[%dma_wait3A_95] : memref<8192xf32, #tpu.memory_space<vmem_shared>> -> memref<8192xf32, #tpu.memory_space<vmem_shared>>
      tpu.wait_indirect_dma semaphore(%run_scoped3A : memref<!tpu.dma_semaphore, #tpu.memory_space<semaphore_mem>>) src(%arg11 : memref<128xf32, #tpu.memory_space<vmem>>) dst(%dma_wait3A_96 : memref<8192xf32, #tpu.memory_space<vmem_shared>>)
      tpu.yield
    }) : () -> ()
    %add3A_62 = arith.constant 256 : i32
    %add3A_63 = arith.addi %mul3A_2, %add3A_62 : i32
    "tpu.region"() ({
      %run_scoped3A = tpu.sem_alloc : memref<!tpu.dma_semaphore, #tpu.memory_space<semaphore_mem>>
      %dma_start3A_93 = tpu.memref_slice %arg3[%add3A_63] : memref<16384xi32, #tpu.memory_space<hbm>> -> memref<128xi32, #tpu.memory_space<hbm>>
      %dma_start3A_94 = tpu.memref_slice %arg3[%add3A_63] : memref<16384xi32, #tpu.memory_space<hbm>> -> memref<128xi32, #tpu.memory_space<hbm>>
      tpu.enqueue_dma source(%dma_start3A_94 : memref<128xi32, #tpu.memory_space<hbm>>) target(%arg7 : memref<128xi32, #tpu.memory_space<vmem>>) target_semaphore(%run_scoped3A : memref<!tpu.dma_semaphore, #tpu.memory_space<semaphore_mem>>)
      %dma_wait3A_95 = tpu.memref_slice %arg3[%add3A_63] : memref<16384xi32, #tpu.memory_space<hbm>> -> memref<128xi32, #tpu.memory_space<hbm>>
      %dma_wait3A_96 = tpu.memref_slice %arg3[%add3A_63] : memref<16384xi32, #tpu.memory_space<hbm>> -> memref<128xi32, #tpu.memory_space<hbm>>
      tpu.wait_dma2 semaphore(%run_scoped3A : memref<!tpu.dma_semaphore, #tpu.memory_space<semaphore_mem>>) src(%dma_wait3A_96 : memref<128xi32, #tpu.memory_space<hbm>>) dst(%arg7 : memref<128xi32, #tpu.memory_space<vmem>>)
      tpu.yield
    }) : () -> ()
    %dma_start3A_64 = arith.constant 0 : i32
    %dma_start3A_65 = arith.constant 0 : i32
    %dma_start3A_66 = tpu.memref_slice %arg2[%dma_start3A_64, %dma_start3A_65] : memref<8192x256xf32, #tpu.memory_space<hbm>> -> memref<8192x256xf32, #tpu.memory_space<hbm>>
    tpu.enqueue_indirect_dma source(%dma_start3A_66 : memref<8192x256xf32, #tpu.memory_space<hbm>>) target(%arg9 : memref<128x256xf32, #tpu.memory_space<vmem>>) offsets(%arg7 : memref<128xi32, #tpu.memory_space<vmem>>) semaphore(%arg13 : memref<!tpu.dma_semaphore, #tpu.memory_space<semaphore_mem>>)
    %dma_wait3A_67 = arith.constant 0 : i32
    %dma_wait3A_68 = arith.constant 0 : i32
    %dma_wait3A_69 = tpu.memref_slice %arg2[%dma_wait3A_67, %dma_wait3A_68] : memref<8192x256xf32, #tpu.memory_space<hbm>> -> memref<8192x256xf32, #tpu.memory_space<hbm>>
    tpu.wait_indirect_dma semaphore(%arg14 : memref<!tpu.dma_semaphore, #tpu.memory_space<semaphore_mem>>) src(%dma_wait3A_69 : memref<8192x256xf32, #tpu.memory_space<hbm>>) dst(%arg10 : memref<128x256xf32, #tpu.memory_space<vmem>>)
    %add3A_70 = arith.constant 128 : i32
    %add3A_71 = arith.addi %mul3A_2, %add3A_70 : i32
    "tpu.region"() ({
      %run_scoped3A = tpu.sem_alloc : memref<!tpu.dma_semaphore, #tpu.memory_space<semaphore_mem>>
      %dma_start3A_93 = arith.constant 0 : i32
      %dma_start3A_94 = tpu.memref_slice %arg5[%add3A_71, %dma_start3A_93] : memref<16384x256xf32, #tpu.memory_space<hbm>> -> memref<128x256xf32, #tpu.memory_space<hbm>>
      %dma_start3A_95 = arith.constant 0 : i32
      %dma_start3A_96 = tpu.memref_slice %arg5[%add3A_71, %dma_start3A_95] : memref<16384x256xf32, #tpu.memory_space<hbm>> -> memref<128x256xf32, #tpu.memory_space<hbm>>
      tpu.enqueue_dma source(%arg10 : memref<128x256xf32, #tpu.memory_space<vmem>>) target(%dma_start3A_96 : memref<128x256xf32, #tpu.memory_space<hbm>>) target_semaphore(%run_scoped3A : memref<!tpu.dma_semaphore, #tpu.memory_space<semaphore_mem>>)
      %dma_wait3A_97 = arith.constant 0 : i32
      %dma_wait3A_98 = tpu.memref_slice %arg5[%add3A_71, %dma_wait3A_97] : memref<16384x256xf32, #tpu.memory_space<hbm>> -> memref<128x256xf32, #tpu.memory_space<hbm>>
      %dma_wait3A_99 = arith.constant 0 : i32
      %dma_wait3A_100 = tpu.memref_slice %arg5[%add3A_71, %dma_wait3A_99] : memref<16384x256xf32, #tpu.memory_space<hbm>> -> memref<128x256xf32, #tpu.memory_space<hbm>>
      tpu.wait_dma2 semaphore(%run_scoped3A : memref<!tpu.dma_semaphore, #tpu.memory_space<semaphore_mem>>) src(%arg10 : memref<128x256xf32, #tpu.memory_space<vmem>>) dst(%dma_wait3A_100 : memref<128x256xf32, #tpu.memory_space<hbm>>)
      tpu.yield
    }) : () -> ()
    "tpu.region"() ({
      %run_scoped3A = tpu.sem_alloc : memref<!tpu.dma_semaphore, #tpu.memory_space<semaphore_mem>>
      %dma_start3A_93 = arith.constant 0 : i32
      %dma_start3A_94 = tpu.memref_slice %arg12[%dma_start3A_93] : memref<8192xf32, #tpu.memory_space<vmem_shared>> -> memref<8192xf32, #tpu.memory_space<vmem_shared>>
      tpu.enqueue_indirect_dma source(%arg11 : memref<128xf32, #tpu.memory_space<vmem>>) target(%dma_start3A_94 : memref<8192xf32, #tpu.memory_space<vmem_shared>>) offsets(%arg8 : memref<128xi32, #tpu.memory_space<vmem>>) semaphore(%run_scoped3A : memref<!tpu.dma_semaphore, #tpu.memory_space<semaphore_mem>>) {add = true}
      %dma_wait3A_95 = arith.constant 0 : i32
      %dma_wait3A_96 = tpu.memref_slice %arg12[%dma_wait3A_95] : memref<8192xf32, #tpu.memory_space<vmem_shared>> -> memref<8192xf32, #tpu.memory_space<vmem_shared>>
      tpu.wait_indirect_dma semaphore(%run_scoped3A : memref<!tpu.dma_semaphore, #tpu.memory_space<semaphore_mem>>) src(%arg11 : memref<128xf32, #tpu.memory_space<vmem>>) dst(%dma_wait3A_96 : memref<8192xf32, #tpu.memory_space<vmem_shared>>)
      tpu.yield
    }) : () -> ()
    %add3A_72 = arith.constant 384 : i32
    %add3A_73 = arith.addi %mul3A_2, %add3A_72 : i32
    "tpu.region"() ({
      %run_scoped3A = tpu.sem_alloc : memref<!tpu.dma_semaphore, #tpu.memory_space<semaphore_mem>>
      %dma_start3A_93 = tpu.memref_slice %arg3[%add3A_73] : memref<16384xi32, #tpu.memory_space<hbm>> -> memref<128xi32, #tpu.memory_space<hbm>>
      %dma_start3A_94 = tpu.memref_slice %arg3[%add3A_73] : memref<16384xi32, #tpu.memory_space<hbm>> -> memref<128xi32, #tpu.memory_space<hbm>>
      tpu.enqueue_dma source(%dma_start3A_94 : memref<128xi32, #tpu.memory_space<hbm>>) target(%arg8 : memref<128xi32, #tpu.memory_space<vmem>>) target_semaphore(%run_scoped3A : memref<!tpu.dma_semaphore, #tpu.memory_space<semaphore_mem>>)
      %dma_wait3A_95 = tpu.memref_slice %arg3[%add3A_73] : memref<16384xi32, #tpu.memory_space<hbm>> -> memref<128xi32, #tpu.memory_space<hbm>>
      %dma_wait3A_96 = tpu.memref_slice %arg3[%add3A_73] : memref<16384xi32, #tpu.memory_space<hbm>> -> memref<128xi32, #tpu.memory_space<hbm>>
      tpu.wait_dma2 semaphore(%run_scoped3A : memref<!tpu.dma_semaphore, #tpu.memory_space<semaphore_mem>>) src(%dma_wait3A_96 : memref<128xi32, #tpu.memory_space<hbm>>) dst(%arg8 : memref<128xi32, #tpu.memory_space<vmem>>)
      tpu.yield
    }) : () -> ()
    %dma_start3A_74 = arith.constant 0 : i32
    %dma_start3A_75 = arith.constant 0 : i32
    %dma_start3A_76 = tpu.memref_slice %arg2[%dma_start3A_74, %dma_start3A_75] : memref<8192x256xf32, #tpu.memory_space<hbm>> -> memref<8192x256xf32, #tpu.memory_space<hbm>>
    tpu.enqueue_indirect_dma source(%dma_start3A_76 : memref<8192x256xf32, #tpu.memory_space<hbm>>) target(%arg10 : memref<128x256xf32, #tpu.memory_space<vmem>>) offsets(%arg8 : memref<128xi32, #tpu.memory_space<vmem>>) semaphore(%arg14 : memref<!tpu.dma_semaphore, #tpu.memory_space<semaphore_mem>>)
    %dma_wait3A_77 = arith.constant 0 : i32
    %dma_wait3A_78 = arith.constant 0 : i32
    %dma_wait3A_79 = tpu.memref_slice %arg2[%dma_wait3A_77, %dma_wait3A_78] : memref<8192x256xf32, #tpu.memory_space<hbm>> -> memref<8192x256xf32, #tpu.memory_space<hbm>>
    tpu.wait_indirect_dma semaphore(%arg13 : memref<!tpu.dma_semaphore, #tpu.memory_space<semaphore_mem>>) src(%dma_wait3A_79 : memref<8192x256xf32, #tpu.memory_space<hbm>>) dst(%arg9 : memref<128x256xf32, #tpu.memory_space<vmem>>)
    %add3A_80 = arith.constant 256 : i32
    %add3A_81 = arith.addi %mul3A_2, %add3A_80 : i32
    "tpu.region"() ({
      %run_scoped3A = tpu.sem_alloc : memref<!tpu.dma_semaphore, #tpu.memory_space<semaphore_mem>>
      %dma_start3A_93 = arith.constant 0 : i32
      %dma_start3A_94 = tpu.memref_slice %arg5[%add3A_81, %dma_start3A_93] : memref<16384x256xf32, #tpu.memory_space<hbm>> -> memref<128x256xf32, #tpu.memory_space<hbm>>
      %dma_start3A_95 = arith.constant 0 : i32
      %dma_start3A_96 = tpu.memref_slice %arg5[%add3A_81, %dma_start3A_95] : memref<16384x256xf32, #tpu.memory_space<hbm>> -> memref<128x256xf32, #tpu.memory_space<hbm>>
      tpu.enqueue_dma source(%arg9 : memref<128x256xf32, #tpu.memory_space<vmem>>) target(%dma_start3A_96 : memref<128x256xf32, #tpu.memory_space<hbm>>) target_semaphore(%run_scoped3A : memref<!tpu.dma_semaphore, #tpu.memory_space<semaphore_mem>>)
      %dma_wait3A_97 = arith.constant 0 : i32
      %dma_wait3A_98 = tpu.memref_slice %arg5[%add3A_81, %dma_wait3A_97] : memref<16384x256xf32, #tpu.memory_space<hbm>> -> memref<128x256xf32, #tpu.memory_space<hbm>>
      %dma_wait3A_99 = arith.constant 0 : i32
      %dma_wait3A_100 = tpu.memref_slice %arg5[%add3A_81, %dma_wait3A_99] : memref<16384x256xf32, #tpu.memory_space<hbm>> -> memref<128x256xf32, #tpu.memory_space<hbm>>
      tpu.wait_dma2 semaphore(%run_scoped3A : memref<!tpu.dma_semaphore, #tpu.memory_space<semaphore_mem>>) src(%arg9 : memref<128x256xf32, #tpu.memory_space<vmem>>) dst(%dma_wait3A_100 : memref<128x256xf32, #tpu.memory_space<hbm>>)
      tpu.yield
    }) : () -> ()
    "tpu.region"() ({
      %run_scoped3A = tpu.sem_alloc : memref<!tpu.dma_semaphore, #tpu.memory_space<semaphore_mem>>
      %dma_start3A_93 = arith.constant 0 : i32
      %dma_start3A_94 = tpu.memref_slice %arg12[%dma_start3A_93] : memref<8192xf32, #tpu.memory_space<vmem_shared>> -> memref<8192xf32, #tpu.memory_space<vmem_shared>>
      tpu.enqueue_indirect_dma source(%arg11 : memref<128xf32, #tpu.memory_space<vmem>>) target(%dma_start3A_94 : memref<8192xf32, #tpu.memory_space<vmem_shared>>) offsets(%arg7 : memref<128xi32, #tpu.memory_space<vmem>>) semaphore(%run_scoped3A : memref<!tpu.dma_semaphore, #tpu.memory_space<semaphore_mem>>) {add = true}
      %dma_wait3A_95 = arith.constant 0 : i32
      %dma_wait3A_96 = tpu.memref_slice %arg12[%dma_wait3A_95] : memref<8192xf32, #tpu.memory_space<vmem_shared>> -> memref<8192xf32, #tpu.memory_space<vmem_shared>>
      tpu.wait_indirect_dma semaphore(%run_scoped3A : memref<!tpu.dma_semaphore, #tpu.memory_space<semaphore_mem>>) src(%arg11 : memref<128xf32, #tpu.memory_space<vmem>>) dst(%dma_wait3A_96 : memref<8192xf32, #tpu.memory_space<vmem_shared>>)
      tpu.yield
    }) : () -> ()
    %dma_wait3A_82 = arith.constant 0 : i32
    %dma_wait3A_83 = arith.constant 0 : i32
    %dma_wait3A_84 = tpu.memref_slice %arg2[%dma_wait3A_82, %dma_wait3A_83] : memref<8192x256xf32, #tpu.memory_space<hbm>> -> memref<8192x256xf32, #tpu.memory_space<hbm>>
    tpu.wait_indirect_dma semaphore(%arg14 : memref<!tpu.dma_semaphore, #tpu.memory_space<semaphore_mem>>) src(%dma_wait3A_84 : memref<8192x256xf32, #tpu.memory_space<hbm>>) dst(%arg10 : memref<128x256xf32, #tpu.memory_space<vmem>>)
    %add3A_85 = arith.constant 384 : i32
    %add3A_86 = arith.addi %mul3A_2, %add3A_85 : i32
    "tpu.region"() ({
      %run_scoped3A = tpu.sem_alloc : memref<!tpu.dma_semaphore, #tpu.memory_space<semaphore_mem>>
      %dma_start3A_93 = arith.constant 0 : i32
      %dma_start3A_94 = tpu.memref_slice %arg5[%add3A_86, %dma_start3A_93] : memref<16384x256xf32, #tpu.memory_space<hbm>> -> memref<128x256xf32, #tpu.memory_space<hbm>>
      %dma_start3A_95 = arith.constant 0 : i32
      %dma_start3A_96 = tpu.memref_slice %arg5[%add3A_86, %dma_start3A_95] : memref<16384x256xf32, #tpu.memory_space<hbm>> -> memref<128x256xf32, #tpu.memory_space<hbm>>
      tpu.enqueue_dma source(%arg10 : memref<128x256xf32, #tpu.memory_space<vmem>>) target(%dma_start3A_96 : memref<128x256xf32, #tpu.memory_space<hbm>>) target_semaphore(%run_scoped3A : memref<!tpu.dma_semaphore, #tpu.memory_space<semaphore_mem>>)
      %dma_wait3A_97 = arith.constant 0 : i32
      %dma_wait3A_98 = tpu.memref_slice %arg5[%add3A_86, %dma_wait3A_97] : memref<16384x256xf32, #tpu.memory_space<hbm>> -> memref<128x256xf32, #tpu.memory_space<hbm>>
      %dma_wait3A_99 = arith.constant 0 : i32
      %dma_wait3A_100 = tpu.memref_slice %arg5[%add3A_86, %dma_wait3A_99] : memref<16384x256xf32, #tpu.memory_space<hbm>> -> memref<128x256xf32, #tpu.memory_space<hbm>>
      tpu.wait_dma2 semaphore(%run_scoped3A : memref<!tpu.dma_semaphore, #tpu.memory_space<semaphore_mem>>) src(%arg10 : memref<128x256xf32, #tpu.memory_space<vmem>>) dst(%dma_wait3A_100 : memref<128x256xf32, #tpu.memory_space<hbm>>)
      tpu.yield
    }) : () -> ()
    "tpu.region"() ({
      %run_scoped3A = tpu.sem_alloc : memref<!tpu.dma_semaphore, #tpu.memory_space<semaphore_mem>>
      %dma_start3A_93 = arith.constant 0 : i32
      %dma_start3A_94 = tpu.memref_slice %arg12[%dma_start3A_93] : memref<8192xf32, #tpu.memory_space<vmem_shared>> -> memref<8192xf32, #tpu.memory_space<vmem_shared>>
      tpu.enqueue_indirect_dma source(%arg11 : memref<128xf32, #tpu.memory_space<vmem>>) target(%dma_start3A_94 : memref<8192xf32, #tpu.memory_space<vmem_shared>>) offsets(%arg8 : memref<128xi32, #tpu.memory_space<vmem>>) semaphore(%run_scoped3A : memref<!tpu.dma_semaphore, #tpu.memory_space<semaphore_mem>>) {add = true}
      %dma_wait3A_95 = arith.constant 0 : i32
      %dma_wait3A_96 = tpu.memref_slice %arg12[%dma_wait3A_95] : memref<8192xf32, #tpu.memory_space<vmem_shared>> -> memref<8192xf32, #tpu.memory_space<vmem_shared>>
      tpu.wait_indirect_dma semaphore(%run_scoped3A : memref<!tpu.dma_semaphore, #tpu.memory_space<semaphore_mem>>) src(%arg11 : memref<128xf32, #tpu.memory_space<vmem>>) dst(%dma_wait3A_96 : memref<8192xf32, #tpu.memory_space<vmem_shared>>)
      tpu.yield
    }) : () -> ()
    %barrier3A_87 = arith.constant 0 : index
    tpu.barrier barrier_id(%barrier3A_87)
    %eq3A_88 = arith.constant 0 : i32
    %eq3A_89 = arith.cmpi eq, %arg1, %eq3A_88 : i32
    %convert_element_type3A_90 = arith.extui %eq3A_89 : i1 to i32
    %cond3A_91 = arith.constant 0 : i32
    %cond3A_92 = arith.cmpi ne, %convert_element_type3A_90, %cond3A_91 : i32
    scf.if %cond3A_92 {
      "tpu.region"() ({
        %run_scoped3A = tpu.sem_alloc : memref<!tpu.dma_semaphore, #tpu.memory_space<semaphore_mem>>
        %dma_start3A_93 = arith.constant 0 : i32
        %dma_start3A_94 = tpu.memref_slice %arg6[%arg0, %dma_start3A_93] : memref<2x8192xf32, #tpu.memory_space<hbm>> -> memref<1x8192xf32, #tpu.memory_space<hbm>>
        %dma_start3A_95 = tpu.memref_squeeze %dma_start3A_94 : memref<1x8192xf32, #tpu.memory_space<hbm>> -> memref<8192xf32, #tpu.memory_space<hbm>>
        tpu.enqueue_dma source(%arg12 : memref<8192xf32, #tpu.memory_space<vmem_shared>>) target(%dma_start3A_95 : memref<8192xf32, #tpu.memory_space<hbm>>) target_semaphore(%run_scoped3A : memref<!tpu.dma_semaphore, #tpu.memory_space<semaphore_mem>>)
        %dma_wait3A_96 = arith.constant 0 : i32
        %dma_wait3A_97 = tpu.memref_slice %arg6[%arg0, %dma_wait3A_96] : memref<2x8192xf32, #tpu.memory_space<hbm>> -> memref<1x8192xf32, #tpu.memory_space<hbm>>
        %dma_wait3A_98 = tpu.memref_squeeze %dma_wait3A_97 : memref<1x8192xf32, #tpu.memory_space<hbm>> -> memref<8192xf32, #tpu.memory_space<hbm>>
        tpu.wait_dma2 semaphore(%run_scoped3A : memref<!tpu.dma_semaphore, #tpu.memory_space<semaphore_mem>>) src(%arg12 : memref<8192xf32, #tpu.memory_space<vmem_shared>>) dst(%dma_wait3A_98 : memref<8192xf32, #tpu.memory_space<hbm>>)
        tpu.yield
      }) : () -> ()
    } else {
    }
    return
  }
}

module attributes {stable_mosaic.version = 14 : i64} {
  func.func @_argmin_body(%arg0: i32, %arg1: memref<512x256xf32, #tpu.memory_space<vmem>>, %arg2: memref<256x8192xbf16, #tpu.memory_space<vmem>>, %arg3: memref<256x8192xf32, #tpu.memory_space<vmem>>, %arg4: memref<512xi32, #tpu.memory_space<vmem>>, %arg5: memref<1x8192xf32, #tpu.memory_space<vmem>>, %arg6: memref<1x8192xf32, #tpu.memory_space<vmem>>) attributes {dimension_semantics = [#tpu.dimension_semantics<arbitrary>], iteration_bounds = array<i64: 32>, scalar_prefetch = 0 : i64, scratch_operands = 2 : i64, tpu.core_type = #tpu.core_type<tc>, window_params = [{transform_indices = @transform_0, window_bounds = array<i64: 512, 256>}, {pipeline_mode = #tpu.pipeline_mode<synchronous>, transform_indices = @transform_1, window_bounds = array<i64: 256, 8192>}, {pipeline_mode = #tpu.pipeline_mode<synchronous>, transform_indices = @transform_2, window_bounds = array<i64: 256, 8192>}, {transform_indices = @transform_3, window_bounds = array<i64: 512>}]} {
    %eq3A = arith.constant 0 : i32
    %eq3A_0 = arith.cmpi eq, %arg0, %eq3A : i32
    %convert_element_type3A = arith.extui %eq3A_0 : i1 to i32
    %cond3A = arith.constant 0 : i32
    %cond3A_1 = arith.cmpi ne, %convert_element_type3A, %cond3A : i32
    scf.if %cond3A_1 {
      %get3A_25 = arith.constant 0 : index
      %get3A_26 = arith.constant 0 : index
      %get3A_27 = vector.load %arg3[%get3A_25, %get3A_26] : memref<256x8192xf32, #tpu.memory_space<vmem>>, vector<256x8192xf32>
      %mul3A = arith.mulf %get3A_27, %get3A_27 : vector<256x8192xf32>
      %reduce_sum3A = arith.constant dense<0.000000e+00> : vector<8192xf32>
      %reduce_sum3A_28 = vector.multi_reduction <add>, %mul3A, %reduce_sum3A [0] : vector<256x8192xf32> to vector<8192xf32>
      %broadcast_in_dim3A_29 = vector.shape_cast %reduce_sum3A_28 : vector<8192xf32> to vector<1x8192xf32>
      %mul3A_30 = arith.constant 2.500000e-01 : f32
      %mul3A_31 = vector.broadcast %mul3A_30 : f32 to vector<1x8192xf32>
      %mul3A_32 = arith.mulf %mul3A_31, %broadcast_in_dim3A_29 : vector<1x8192xf32>
      %swap3A_33 = arith.constant 0 : index
      %swap3A_34 = arith.constant 0 : index
      %swap3A_35 = vector.load %arg5[%swap3A_33, %swap3A_34] : memref<1x8192xf32, #tpu.memory_space<vmem>>, vector<1x8192xf32>
      tpu.vector_store %arg5[%swap3A_33, %swap3A_34], %mul3A_32 {strides = array<i32>} : memref<1x8192xf32, #tpu.memory_space<vmem>>, vector<1x8192xf32>,
      %iota3A = tpu.iota {dimensions = array<i32: 1>} : vector<1x8192xi32>
      %convert_element_type3A_36 = arith.sitofp %iota3A : vector<1x8192xi32> to vector<1x8192xf32>
      %swap3A_37 = arith.constant 0 : index
      %swap3A_38 = arith.constant 0 : index
      %swap3A_39 = vector.load %arg6[%swap3A_37, %swap3A_38] : memref<1x8192xf32, #tpu.memory_space<vmem>>, vector<1x8192xf32>
      tpu.vector_store %arg6[%swap3A_37, %swap3A_38], %convert_element_type3A_36 {strides = array<i32>} : memref<1x8192xf32, #tpu.memory_space<vmem>>, vector<1x8192xf32>,
    } else {
    }
    %get3A = arith.constant 0 : index
    %get3A_2 = arith.constant 0 : index
    %get3A_3 = vector.load %arg1[%get3A, %get3A_2] : memref<512x256xf32, #tpu.memory_space<vmem>>, vector<512x256xf32>
    %get3A_4 = arith.constant 0 : index
    %get3A_5 = arith.constant 0 : index
    %get3A_6 = vector.load %arg2[%get3A_4, %get3A_5] : memref<256x8192xbf16, #tpu.memory_space<vmem>>, vector<256x8192xbf16>
    %dot_general3A = arith.constant dense<0.000000e+00> : vector<512x8192xf32>
    %dot_general3A_7 = tpu.matmul %get3A_3, %get3A_6, %dot_general3A {dimension_numbers = #tpu.dot_dimension_numbers<[1], [0], [0], [1], [0, 0, 1, 1], [], []>, transpose_lhs_hint = false} : vector<512x256xf32>, vector<256x8192xbf16>, vector<512x8192xf32> -> vector<512x8192xf32>
    %get3A_8 = arith.constant 0 : index
    %get3A_9 = arith.constant 0 : index
    %get3A_10 = vector.load %arg5[%get3A_8, %get3A_9] : memref<1x8192xf32, #tpu.memory_space<vmem>>, vector<1x8192xf32>
    %add3A = vector.broadcast %get3A_10 : vector<1x8192xf32> to vector<512x8192xf32>
    %add3A_11 = arith.addf %dot_general3A_7, %add3A : vector<512x8192xf32>
    %reduce_min3A = arith.constant dense<0x7F800000> : vector<512xf32>
    %reduce_min3A_12 = vector.multi_reduction <minimumf>, %add3A_11, %reduce_min3A [1] : vector<512x8192xf32> to vector<512xf32>
    %broadcast_in_dim3A = vector.shape_cast %reduce_min3A_12 : vector<512xf32> to vector<512x1xf32>
    %eq3A_13 = vector.broadcast %broadcast_in_dim3A : vector<512x1xf32> to vector<512x8192xf32>
    %eq3A_14 = arith.cmpf oeq, %add3A_11, %eq3A_13 : vector<512x8192xf32>
    %get3A_15 = arith.constant 0 : index
    %get3A_16 = arith.constant 0 : index
    %get3A_17 = vector.load %arg6[%get3A_15, %get3A_16] : memref<1x8192xf32, #tpu.memory_space<vmem>>, vector<1x8192xf32>
    %jit3A = arith.constant 8.192000e+03 : f32
    %broadcast_in_dim3A_18 = vector.shape_cast %get3A_17 : vector<1x8192xf32> to vector<1x8192xf32>
    %broadcast_in_dim3A_19 = vector.broadcast %broadcast_in_dim3A_18 : vector<1x8192xf32> to vector<512x8192xf32>
    %broadcast_in_dim3A_20 = vector.broadcast %jit3A : f32 to vector<512x8192xf32>
    %select_n3A = arith.select %eq3A_14, %broadcast_in_dim3A_19, %broadcast_in_dim3A_20 : vector<512x8192xi1>, vector<512x8192xf32>
    %reduce_min3A_21 = arith.constant dense<0x7F800000> : vector<512xf32>
    %reduce_min3A_22 = vector.multi_reduction <minimumf>, %select_n3A, %reduce_min3A_21 [1] : vector<512x8192xf32> to vector<512xf32>
    %convert_element_type3A_23 = arith.fptosi %reduce_min3A_22 : vector<512xf32> to vector<512xi32>
    %swap3A = arith.constant 0 : index
    %swap3A_24 = vector.load %arg4[%swap3A] : memref<512xi32, #tpu.memory_space<vmem>>, vector<512xi32>
    tpu.vector_store %arg4[%swap3A], %convert_element_type3A_23 {strides = array<i32>} : memref<512xi32, #tpu.memory_space<vmem>>, vector<512xi32>,
    return
  }
  func.func @transform_0(%arg0: i32) -> (i32, i32) {
    %c0_i32 = arith.constant 0 : i32
    %c0_i32_0 = arith.constant 0 : i32
    return %arg0, %c0_i32 : i32, i32
  }
  func.func @transform_1(%arg0: i32) -> (i32, i32) {
    %c0_i32 = arith.constant 0 : i32
    %c0_i32_0 = arith.constant 0 : i32
    %c0_i32_1 = arith.constant 0 : i32
    return %c0_i32, %c0_i32_0 : i32, i32
  }
  func.func @transform_2(%arg0: i32) -> (i32, i32) {
    %c0_i32 = arith.constant 0 : i32
    %c0_i32_0 = arith.constant 0 : i32
    %c0_i32_1 = arith.constant 0 : i32
    return %c0_i32, %c0_i32_0 : i32, i32
  }
  func.func @transform_3(%arg0: i32) -> i32 {
    %c0_i32 = arith.constant 0 : i32
    return %arg0 : i32
  }
}

module attributes {stable_mosaic.version = 14 : i64} {
  func.func @_epi_body(%arg0: i32, %arg1: memref<2048x256xf32, #tpu.memory_space<vmem>>, %arg2: memref<2048x256xf32, #tpu.memory_space<vmem>>, %arg3: memref<2x8192xf32, #tpu.memory_space<vmem>>, %arg4: memref<1x1xf32, #tpu.memory_space<vmem>>, %arg5: memref<1x1xf32, #tpu.memory_space<vmem>>, %arg6: memref<1x1xf32, #tpu.memory_space<vmem>>) attributes {dimension_semantics = [#tpu.dimension_semantics<arbitrary>], iteration_bounds = array<i64: 8>, scalar_prefetch = 0 : i64, scratch_operands = 0 : i64, tpu.core_type = #tpu.core_type<tc>, window_params = [{transform_indices = @transform_0, window_bounds = array<i64: 2048, 256>}, {transform_indices = @transform_1, window_bounds = array<i64: 2048, 256>}, {pipeline_mode = #tpu.pipeline_mode<synchronous>, transform_indices = @transform_2, window_bounds = array<i64: 2, 8192>}, {pipeline_mode = #tpu.pipeline_mode<synchronous>, transform_indices = @transform_3, window_bounds = array<i64: 1, 1>}, {pipeline_mode = #tpu.pipeline_mode<synchronous>, transform_indices = @transform_4, window_bounds = array<i64: 1, 1>}, {pipeline_mode = #tpu.pipeline_mode<synchronous>, transform_indices = @transform_5, window_bounds = array<i64: 1, 1>}]} {
    %eq3A = arith.constant 0 : i32
    %eq3A_0 = arith.cmpi eq, %arg0, %eq3A : i32
    %convert_element_type3A = arith.extui %eq3A_0 : i1 to i32
    %cond3A = arith.constant 0 : i32
    %cond3A_1 = arith.cmpi ne, %convert_element_type3A, %cond3A : i32
    scf.if %cond3A_1 {
      %broadcast_in_dim3A_21 = arith.constant 0.000000e+00 : f32
      %broadcast_in_dim3A_22 = vector.broadcast %broadcast_in_dim3A_21 : f32 to vector<1x1xf32>
      %swap3A_23 = arith.constant 0 : index
      %swap3A_24 = arith.constant 0 : index
      %swap3A_25 = vector.load %arg4[%swap3A_23, %swap3A_24] : memref<1x1xf32, #tpu.memory_space<vmem>>, vector<1x1xf32>
      tpu.vector_store %arg4[%swap3A_23, %swap3A_24], %broadcast_in_dim3A_22 {strides = array<i32>} : memref<1x1xf32, #tpu.memory_space<vmem>>, vector<1x1xf32>,
    } else {
    }
    %get3A = arith.constant 0 : index
    %get3A_2 = arith.constant 0 : index
    %get3A_3 = vector.load %arg2[%get3A, %get3A_2] : memref<2048x256xf32, #tpu.memory_space<vmem>>, vector<2048x256xf32>
    %get3A_4 = arith.constant 0 : index
    %get3A_5 = arith.constant 0 : index
    %get3A_6 = vector.load %arg1[%get3A_4, %get3A_5] : memref<2048x256xf32, #tpu.memory_space<vmem>>, vector<2048x256xf32>
    %sub3A = arith.subf %get3A_3, %get3A_6 : vector<2048x256xf32>
    %get3A_7 = arith.constant 0 : index
    %get3A_8 = arith.constant 0 : index
    %get3A_9 = vector.load %arg4[%get3A_7, %get3A_8] : memref<1x1xf32, #tpu.memory_space<vmem>>, vector<1x1xf32>
    %mul3A = arith.mulf %sub3A, %sub3A : vector<2048x256xf32>
    %reduce_sum3A = vector.shape_cast %mul3A : vector<2048x256xf32> to vector<1x2048x256xf32>
    %reduce_sum3A_10 = arith.constant dense<0.000000e+00> : vector<1xf32>
    %reduce_sum3A_11 = vector.multi_reduction <add>, %reduce_sum3A, %reduce_sum3A_10 [1, 2] : vector<1x2048x256xf32> to vector<1xf32>
    %reduce_sum3A_12 = vector.shape_cast %reduce_sum3A_11 : vector<1xf32> to vector<1x1x1xf32>
    %reduce_sum3A_13 = vector.extract %reduce_sum3A_12[0, 0, 0] : f32 from vector<1x1x1xf32>
    %broadcast_in_dim3A = vector.broadcast %reduce_sum3A_13 : f32 to vector<1x1xf32>
    %add3A = arith.addf %get3A_9, %broadcast_in_dim3A : vector<1x1xf32>
    %swap3A = arith.constant 0 : index
    %swap3A_14 = arith.constant 0 : index
    %swap3A_15 = vector.load %arg4[%swap3A, %swap3A_14] : memref<1x1xf32, #tpu.memory_space<vmem>>, vector<1x1xf32>
    tpu.vector_store %arg4[%swap3A, %swap3A_14], %add3A {strides = array<i32>} : memref<1x1xf32, #tpu.memory_space<vmem>>, vector<1x1xf32>,
    %eq3A_16 = arith.constant 7 : i32
    %eq3A_17 = arith.cmpi eq, %arg0, %eq3A_16 : i32
    %convert_element_type3A_18 = arith.extui %eq3A_17 : i1 to i32
    %cond3A_19 = arith.constant 0 : i32
    %cond3A_20 = arith.cmpi ne, %convert_element_type3A_18, %cond3A_19 : i32
    scf.if %cond3A_20 {
      %get3A_21 = arith.constant 0 : index
      %get3A_22 = arith.constant 0 : index
      %get3A_23 = vector.load %arg4[%get3A_21, %get3A_22] : memref<1x1xf32, #tpu.memory_space<vmem>>, vector<1x1xf32>
      %mul3A_24 = arith.constant 2.98023224E-7 : f32
      %mul3A_25 = vector.broadcast %mul3A_24 : f32 to vector<1x1xf32>
      %mul3A_26 = arith.mulf %get3A_23, %mul3A_25 : vector<1x1xf32>
      %swap3A_27 = arith.constant 0 : index
      %swap3A_28 = arith.constant 0 : index
      %swap3A_29 = vector.load %arg4[%swap3A_27, %swap3A_28] : memref<1x1xf32, #tpu.memory_space<vmem>>, vector<1x1xf32>
      tpu.vector_store %arg4[%swap3A_27, %swap3A_28], %mul3A_26 {strides = array<i32>} : memref<1x1xf32, #tpu.memory_space<vmem>>, vector<1x1xf32>,
      %get3A_30 = arith.constant 0 : index
      %get3A_31 = arith.constant 0 : index
      %get3A_32 = vector.load %arg3[%get3A_30, %get3A_31] : memref<2x8192xf32, #tpu.memory_space<vmem>>, vector<2x8192xf32>
      %reduce_sum3A_33 = arith.constant dense<0.000000e+00> : vector<8192xf32>
      %reduce_sum3A_34 = vector.multi_reduction <add>, %get3A_32, %reduce_sum3A_33 [0] : vector<2x8192xf32> to vector<8192xf32>
      %broadcast_in_dim3A_35 = vector.shape_cast %reduce_sum3A_34 : vector<8192xf32> to vector<1x8192xf32>
      %div3A = arith.constant 1.638400e+04 : f32
      %div3A_36 = vector.broadcast %div3A : f32 to vector<1x8192xf32>
      %div3A_37 = arith.divf %broadcast_in_dim3A_35, %div3A_36 : vector<1x8192xf32>
      %add3A_38 = arith.constant 1.000000e-10 : f32
      %add3A_39 = vector.broadcast %add3A_38 : f32 to vector<1x8192xf32>
      %add3A_40 = arith.addf %div3A_37, %add3A_39 : vector<1x8192xf32>
      %log3A = math.log %add3A_40 : vector<1x8192xf32>
      %mul3A_41 = arith.mulf %add3A_40, %log3A : vector<1x8192xf32>
      %reduce_sum3A_42 = vector.shape_cast %mul3A_41 : vector<1x8192xf32> to vector<1x1x8192xf32>
      %reduce_sum3A_43 = arith.constant dense<0.000000e+00> : vector<1xf32>
      %reduce_sum3A_44 = vector.multi_reduction <add>, %reduce_sum3A_42, %reduce_sum3A_43 [1, 2] : vector<1x1x8192xf32> to vector<1xf32>
      %reduce_sum3A_45 = vector.shape_cast %reduce_sum3A_44 : vector<1xf32> to vector<1x1x1xf32>
      %reduce_sum3A_46 = vector.extract %reduce_sum3A_45[0, 0, 0] : f32 from vector<1x1x1xf32>
      %broadcast_in_dim3A_47 = vector.broadcast %reduce_sum3A_46 : f32 to vector<1x1xf32>
      %neg3A = arith.constant 0.000000e+00 : f32
      %neg3A_48 = vector.broadcast %neg3A : f32 to vector<1x1xf32>
      %neg3A_49 = arith.subf %neg3A_48, %broadcast_in_dim3A_47 : vector<1x1xf32>
      %exp3A = math.exp %neg3A_49 : vector<1x1xf32>
      %swap3A_50 = arith.constant 0 : index
      %swap3A_51 = arith.constant 0 : index
      %swap3A_52 = vector.load %arg5[%swap3A_50, %swap3A_51] : memref<1x1xf32, #tpu.memory_space<vmem>>, vector<1x1xf32>
      tpu.vector_store %arg5[%swap3A_50, %swap3A_51], %exp3A {strides = array<i32>} : memref<1x1xf32, #tpu.memory_space<vmem>>, vector<1x1xf32>,
      %gt3A = arith.constant 9.99999993E-9 : f32
      %gt3A_53 = vector.broadcast %gt3A : f32 to vector<1x8192xf32>
      %gt3A_54 = arith.cmpf ogt, %add3A_40, %gt3A_53 : vector<1x8192xf32>
      %convert_element_type3A_55 = arith.extui %gt3A_54 : vector<1x8192xi1> to vector<1x8192xi32>
      %convert_element_type3A_56 = arith.sitofp %convert_element_type3A_55 : vector<1x8192xi32> to vector<1x8192xf32>
      %reduce_sum3A_57 = vector.shape_cast %convert_element_type3A_56 : vector<1x8192xf32> to vector<1x1x8192xf32>
      %reduce_sum3A_58 = arith.constant dense<0.000000e+00> : vector<1xf32>
      %reduce_sum3A_59 = vector.multi_reduction <add>, %reduce_sum3A_57, %reduce_sum3A_58 [1, 2] : vector<1x1x8192xf32> to vector<1xf32>
      %reduce_sum3A_60 = vector.shape_cast %reduce_sum3A_59 : vector<1xf32> to vector<1x1x1xf32>
      %reduce_sum3A_61 = vector.extract %reduce_sum3A_60[0, 0, 0] : f32 from vector<1x1x1xf32>
      %broadcast_in_dim3A_62 = vector.broadcast %reduce_sum3A_61 : f32 to vector<1x1xf32>
      %div3A_63 = arith.constant 8.192000e+03 : f32
      %div3A_64 = vector.broadcast %div3A_63 : f32 to vector<1x1xf32>
      %div3A_65 = arith.divf %broadcast_in_dim3A_62, %div3A_64 : vector<1x1xf32>
      %swap3A_66 = arith.constant 0 : index
      %swap3A_67 = arith.constant 0 : index
      %swap3A_68 = vector.load %arg6[%swap3A_66, %swap3A_67] : memref<1x1xf32, #tpu.memory_space<vmem>>, vector<1x1xf32>
      tpu.vector_store %arg6[%swap3A_66, %swap3A_67], %div3A_65 {strides = array<i32>} : memref<1x1xf32, #tpu.memory_space<vmem>>, vector<1x1xf32>,
    } else {
    }
    return
  }
  func.func @transform_0(%arg0: i32) -> (i32, i32) {
    %c0_i32 = arith.constant 0 : i32
    %c0_i32_0 = arith.constant 0 : i32
    return %arg0, %c0_i32 : i32, i32
  }
  func.func @transform_1(%arg0: i32) -> (i32, i32) {
    %c0_i32 = arith.constant 0 : i32
    %c0_i32_0 = arith.constant 0 : i32
    return %arg0, %c0_i32 : i32, i32
  }
  func.func @transform_2(%arg0: i32) -> (i32, i32) {
    %c0_i32 = arith.constant 0 : i32
    %c0_i32_0 = arith.constant 0 : i32
    %c0_i32_1 = arith.constant 0 : i32
    return %c0_i32, %c0_i32_0 : i32, i32
  }
  func.func @transform_3(%arg0: i32) -> (i32, i32) {
    %c0_i32 = arith.constant 0 : i32
    %c0_i32_0 = arith.constant 0 : i32
    %c0_i32_1 = arith.constant 0 : i32
    return %c0_i32, %c0_i32_0 : i32, i32
  }
  func.func @transform_4(%arg0: i32) -> (i32, i32) {
    %c0_i32 = arith.constant 0 : i32
    %c0_i32_0 = arith.constant 0 : i32
    %c0_i32_1 = arith.constant 0 : i32
    return %c0_i32, %c0_i32_0 : i32, i32
  }
  func.func @transform_5(%arg0: i32) -> (i32, i32) {
    %c0_i32 = arith.constant 0 : i32
    %c0_i32_0 = arith.constant 0 : i32
    %c0_i32_1 = arith.constant 0 : i32
    return %c0_i32, %c0_i32_0 : i32, i32
  }
}

</mosaic_0001>

<sc_bundles>
// kernel: kernel.5.cloned.1.call-start
scs
__scs_entry_jumppad:
0x0: {  	(pc) =	sbr.rel $0x88, $3  }
0x1: {  	(tag) =	ssettag $0x0;
	lr =	simm.s32 $0x1  }
0x2: {  	[smem:$0x3F9F] =	sst lr;
	_ =	strace $0xD0000000  }
0x3: {  	_ = 	snop  }
0x4: {  	_ = 	snop  }
0x5: {  	_ = 	snop  }
0x6: {  	_ = 	snop  }
0x7: {  	_ = 	snop  }
__scs_overlays_trampoline_lowered:
0x8: {  	[smem:$0x3FAE] =	sst s0  }
0x9: {  	[smem:$0x3FAF] =	sst s1  }
0xa: {  	[smem:$0x3FB0] =	sst s2  }
0xb: {  	[smem:$0x3FB1] =	sst s3  }
0xc: {  	[smem:$0x3FB2] =	sst s4  }
0xd: {  	[smem:$0x3FB3] =	sst s5  }
0xe: {  	[smem:$0x3FB4] =	sst s6  }
0xf: {  	[smem:$0x3FB5] =	sst s7  }
0x10: {  	[smem:$0x3FB6] =	sst s8  }
0x11: {  	[smem:$0x3FB7] =	sst s9;
	s0 =	simm.s32 @!p0 $0x0  }
0x12: {  	s1 =	sld [smem:$0x3F9D];
	s0 =	simm.s32 @p0 $0x1  }
0x13: {  	[smem:$0x3FB8] =	sst s0;
	s0 =	simm.s32 @!p1 $0x0  }
0x14: {  	s2 =	sld [smem:$0x3F9C];
	s0 =	simm.s32 @p1 $0x1  }
0x15: {  	[smem:$0x3FB9] =	sst s0;
	s0 =	simm.s32 @!p2 $0x0  }
0x16: {  	s3 =	sld [smem:$0x3FDB];
	s0 =	simm.s32 @p2 $0x1  }
0x17: {  	s4 =	simm.s32 $0x1BF5;
	[smem:$0x3FBB] =	sst s0  }
0x18: {  	s0 =	sld [smem:$0x3F9E];
	_ =	swait.ge [sflag:s4], $0x0  }
0x19: {  	s7 =	sld [smem:$0x3F9F]  }
0x1a: {  	s8 =	sadd.s32 $0xFFFFE003, lr  }
0x1b: {  	s9 =	sadd.s32 $0xFFFFFEF7, lr;
	s5 =	simm.s32 $0xFFFFFFFF;
	p2 =	slt.u32 s8, $0xFFFFF086  }
0x1c: {  	p1 =	slt.u32 s9, $0xF7A;
	s5 =	simm.s32 @!p2 $0x0  }
0x1d: {  	s5 =	simm.s32 @p1 $0x1;
	p0 =	seq.s32 s7, s2  }
0x1e: {  	s7 =	smul.u32 @!p0 $0xF7A, s2;
	p2 =	seq.s32 @!p0 s5, $0x0  }
0x1f: {  	s9 =	smul.u32 $0xF7A, s1;
	s8 =	simm.s32 @!p0 $0x1BF5;
	p2 =	por !p2, p0  }
0x20: {  	[sflag:s8] =	ssyncset.s32 @!p0 $0xFFFFF086;
	s6 =	sadd.s32 @!p0 s3, s7;
	s7 =	simm.s32 @!p0 $0x108  }
0x21: {  	s3 =	sadd.s32 s3, s9;
	s6 =	sadd.s32 @!p0 $0x88, s6;
	s7 =	simm.s32 @p2 $0x1082  }
0x22: {  	[simem:s7], [sflag:s8] =	dma.local @!p0 [hbm:s6], $0xF7A  }
0x23: {  	s9 =	sor.u32 $0xD0000000, s2;
	s6 =	simm.s32 $0x108;
	_ =	swait.ge @!p0 [sflag:s8], $0x0  }
0x24: {  	s3 =	sadd.s32 $0x88, s3;
	s6 =	simm.s32 @!p1 $0x1082;
	[sflag:s4] =	ssyncset.s32 $0xFFFFF086  }
0x25: {  	[simem:s6], [sflag:s4] =	dma.local [hbm:s3], $0xF7A  }
0x26: {  	[smem:$0x3F9F] =	sst s1;
	(tag) =	ssettag s2;
	_ =	strace s9  }
0x27: {  	s1 =	sld [smem:$0x3FAF]  }
0x28: {  	s2 =	sld [smem:$0x3FB0]  }
0x29: {  	s4 =	sld [smem:$0x3FB2]  }
0x2a: {  	p0 =	seq.s32 s5, $0x0;
	s5 =	sld [smem:$0x3FB3]  }
0x2b: {  	s6 =	sld [smem:$0x3FB4]  }
0x2c: {  	s7 =	sld [smem:$0x3FB5]  }
0x2d: {  	s3 =	simm.s32 $0x108;
	s8 =	sld [smem:$0x3FB6]  }
0x2e: {  	s3 =	simm.s32 @!p0 $0x1082;
	s9 =	sld [smem:$0x3FB7]  }
0x2f: {  	lr =	sadd.s32 s0, s3;
	s0 =	sld [smem:$0x3FAE]  }
0x30: {  	s3 =	sld [smem:$0x3FB1]  }
0x31: {  	[smem:$0x3FBA] =	sst s10  }
0x32: {  	s10 =	sld [smem:$0x3FB8];
	_ =	sdelay $0x3  }
0x33: {  	p0 =	seq.s32 s10, $0x1;
	s10 =	sld [smem:$0x3FBA];
	_ =	sdelay $0x3  }
0x34: {  	[smem:$0x3FBA] =	sst s10  }
0x35: {  	s10 =	sld [smem:$0x3FB9];
	_ =	sdelay $0x3  }
0x36: {  	p1 =	seq.s32 s10, $0x1;
	s10 =	sld [smem:$0x3FBA];
	_ =	sdelay $0x3  }
0x37: {  	[smem:$0x3FBA] =	sst s10  }
0x38: {  	s10 =	sld [smem:$0x3FBB]  }
0x39: {  	_ = 	snop;
	(pc) =	sbr.ind lr, $3  }
0x3a: {  	_ = 	snop  }
0x3b: {  	_ = 	snop  }
0x3c: {  	p2 =	seq.s32 s10, $0x1;
	s10 =	sld [smem:$0x3FBA]  }
0x3d: {  	_ =	shalt  }
0x3e: {  	_ =	shalt  }
0x3f: {  	_ =	shalt  }
0x40: {  	_ =	shalt  }
0x41: {  	_ =	shalt  }
0x42: {  	_ =	shalt  }
0x43: {  	_ =	shalt  }
0x44: {  	_ =	shalt  }
0x45: {  	_ =	shalt  }
0x46: {  	_ =	shalt  }
0x47: {  	_ =	shalt  }
0x48: {  	_ =	shalt  }
0x49: {  	_ =	shalt  }
0x4a: {  	_ =	shalt  }
0x4b: {  	_ =	shalt  }
0x4c: {  	_ =	shalt  }
0x4d: {  	_ =	shalt  }
0x4e: {  	_ =	shalt  }
0x4f: {  	_ =	shalt  }
0x50: {  	_ =	shalt  }
0x51: {  	_ =	shalt  }
0x52: {  	_ =	shalt  }
0x53: {  	_ =	shalt  }
0x54: {  	_ =	shalt  }
0x55: {  	_ =	shalt  }
0x56: {  	_ =	shalt  }
0x57: {  	_ =	shalt  }
0x58: {  	_ =	shalt  }
0x59: {  	_ =	shalt  }
0x5a: {  	_ =	shalt  }
0x5b: {  	_ =	shalt  }
0x5c: {  	_ =	shalt  }
0x5d: {  	_ =	shalt  }
0x5e: {  	_ =	shalt  }
0x5f: {  	_ =	shalt  }
0x60: {  	_ =	shalt  }
0x61: {  	_ =	shalt  }
0x62: {  	_ =	shalt  }
0x63: {  	_ =	shalt  }
0x64: {  	_ =	shalt  }
0x65: {  	_ =	shalt  }
0x66: {  	_ =	shalt  }
0x67: {  	_ =	shalt  }
0x68: {  	_ =	shalt  }
0x69: {  	_ =	shalt  }
0x6a: {  	_ =	shalt  }
0x6b: {  	_ =	shalt  }
0x6c: {  	_ =	shalt  }
0x6d: {  	_ =	shalt  }
0x6e: {  	_ =	shalt  }
0x6f: {  	_ =	shalt  }
0x70: {  	_ =	shalt  }
0x71: {  	_ =	shalt  }
0x72: {  	_ =	shalt  }
0x73: {  	_ =	shalt  }
0x74: {  	_ =	shalt  }
0x75: {  	_ =	shalt  }
0x76: {  	_ =	shalt  }
0x77: {  	_ =	shalt  }
0x78: {  	_ =	shalt  }
0x79: {  	_ =	shalt  }
0x7a: {  	_ =	shalt  }
0x7b: {  	_ =	shalt  }
0x7c: {  	_ =	shalt  }
0x7d: {  	_ =	shalt  }
0x7e: {  	_ =	shalt  }
0x7f: {  	_ =	shalt  }
0x80: {  	_ =	shalt  }
0x81: {  	_ =	shalt  }
0x82: {  	_ =	shalt  }
0x83: {  	_ =	shalt  }
0x84: {  	_ =	shalt  }
0x85: {  	_ =	shalt  }
0x86: {  	_ =	shalt  }
0x87: {  	_ =	shalt  }
.Lfunc_end0:
.L_simem_size_0:
called_computation_lowered:
.L_overlay_start_0:
0x88: {  	s2 =	sld [smem:$0x3FD9]  }
0x89: {  	s3 =	sld [smem:$0x3FFE];
	_ =	sdelay $0x1  }
0x8a: {  	s1 =	srdreg.scid  }
0x8b: {  	s0 =	sand.u32 $0x1, s1  }
0x8c: {  	s14 =	sshll.u32 s0, $0xA;
	s2 =	sadd.s32 s3, s2  }
0x8d: {  	s2 =	sadd.s32 s2, s14  }
0x8e: {  	[smem:$0x3FC6] =	sst s2  }
0x8f: {  	_ = 	snop  }
0x90: {  	s2 =	sld [smem:$0x3FD0];
	_ =	sdelay $0x2  }
0x91: {  	s4 =	simm.s32 $0xA;
	s5 =	simm.s32 $0x10;
	s15 =	sld [smem:$0x3FC8]  }
0x92: {  	[smem:s5], [sflag:s4] =	dma.local [hbm:s2], $0x1  }
0x93: {  	_ =	swait.eq [sflag:s4], $0x1  }
0x94: {  	[sflag:s4] =	ssyncset.done $0x0  }
0x95: {  	[sflag:s4] =	ssyncadd.s32 $0xFFFFFFFF  }
0x96: {  	s16 =	sld [smem:$0x10];
	(tm) =	ssettm $0x1  }
0x97: {  	s17 =	sld [smem:$0x3FFB];
	_ =	sdelay $0x3  }
0x98: {  	_ =	strace s17  }
0x99: {  	s4 =	sld [smem:$0x3FFC];
	_ =	sdelay $0x3  }
0x9a: {  	_ =	strace s4  }
0x9b: {  	s4 =	sld [smem:$0x3FFD];
	_ =	sdelay $0x3  }
0x9c: {  	_ =	strace s4  }
0x9d: {  	_ =	strace $0x8FFFFFFF  }
0x9e: {  	s18 =	sld [smem:$0x3FDB];
	_ =	sdelay $0x1  }
0x9f: {  	s19 =	simm.s32 $_scs_section_size  }
0xa0: {  	s6 =	simm.s32 $_size__tile_overlayer_lowered;
	s7 =	simm.s32 $_tile_overlayer_lowered  }
0xa1: {  	s22 =	simm.s32 $0x1BFF;
	s21 =	sshll.u32 s7, $0x1;
	s4 =	sadd.s32 s19, s18  }
0xa2: {  	s8 =	simm.s32 $0x0;
	s20 =	sshll.u32 s6, $0x1;
	s6 =	sadd.s32 s21, s4  }
0xa3: {  	[timem:s8], [sflag:s22] =	dma.local [hbm:s6], s20  }
0xa4: {  	_ =	swait.ge [sflag:s22], s20  }
0xa5: {  	s5 =	ssub.s32 $0x0, s20;
	[sflag:s22] =	ssyncset.done $0x0  }
0xa6: {  	[sflag:s22] =	ssyncadd.s32 s5;
	_ =	sdelay $0x1  }
0xa7: {  	s23 =	simm.s32 $0x1B8B  }
0xa8: {  	_ =	swait.ge [sflag:s23], $0x1  }
0xa9: {  	[sflag:s23] =	ssyncset.done $0x0  }
0xaa: {  	s25 =	simm.s32 $0x1B8E;
	s24 =	sld [smem:$0x3FFE];
	[sflag:s23] =	ssyncadd.s32 $0xFFFFFFFF  }
0xab: {  	s26 =	simm.s32 $execute0_lowered;
	[smem:$0x3FD2] =	sst s25  }
0xac: {  	s6 =	sshll.u32 s26, $0x1;
	_ =	strace $0x80000046;
	[dreg:$0x1] =	wrdreg $0xFFFFFFFF  }
0xad: {  	s28 =	simm.s32 $_size_execute0_lowered;
	s4 =	sadd.s32 s4, s6;
	[dreg:$0x0] =	wrdreg $0x0  }
0xae: {  	s6 =	sshll.u32 s28, $0x1;
	[dreg:$0x2] =	wrdreg s4  }
0xaf: {  	[dreg:$0x3] =	wrdreg s6  }
0xb0: {  	[dreg:$0x4] =	wrdreg $0xC0  }
0xb1: {  	_ =	task [dreg:s8], $0x5FFFF  }
0xb2: {  	[dreg:$0x1] =	wrdreg $0xFFFFFFFF  }
0xb3: {  	[dreg:$0x0] =	wrdreg $0x60  }
0xb4: {  	[dreg:$0x2] =	wrdreg s15  }
0xb5: {  	[dreg:$0x3] =	wrdreg s24  }
0xb6: {  	[dreg:$0x4] =	wrdreg s16  }
0xb7: {  	[dreg:$0x5] =	wrdreg $0x101800  }
0xb8: {  	[dreg:$0x6] =	wrdreg $0x9  }
0xb9: {  	_ =	task.clear_ibuf [dreg:s8], $0x7FFFF;
	_ =	strace $0x90000046  }
0xba: {  	s29 =	simm.s32 $0x9;
	_ =	strace $0x80000048  }
0xbb: {  	_ =	swait.ge [sflag:s29], $0x1  }
0xbc: {  	[sflag:s29] =	ssyncadd.s32 $0xFFFFFFFF  }
0xbd: {  	_ =	strace $0x90000048  }
0xbe: {  	_ =	sfence  }
0xbf: {  	s30 =	sld [smem:$0x0];
	_ =	sdelay $0x2  }
0xc0: {  	s31 =	sshll.u32 s1, $0xD;
	s1 =	sshrl.u32 s1, $0x2  }
0xc1: {  	s3 =	sand.u32 $0x4000, s31;
	s1 =	sadd.s32 s1, s30  }
0xc2: {  	s0 =	sor.u32 s3, s0;
	s1 =	sshll.u32 s1, $0x11  }
0xc3: {  	s0 =	sor.u32 s1, s0  }
0xc4: {  	s0 =	sadd.s32 $0x8F2B, s0  }
0xc5: {  	[sflag:s0] =	ssyncadd.remote.s32 $0x1  }
0xc6: {  	_ =	sfence.sel $0xFFFF  }
0xc7: {  	[dreg:$0x0] =	wrdreg $0xFFFFFFFF;
	(pc) =	sbr.abs _section_cstart, $3  }
0xc8: {  	[dreg:$0x1] =	wrdreg $0xFFFFFFFF  }
0xc9: {  	_ =	task.clear_ibuf [dreg:s8], $0x2FFFF;
	_ =	strace $0x9FFFFFFF  }
0xca: {  	(tm) =	ssettm $0x7FFFFFFF  }
0xcb: {  	_ =	shalt  }
tec
execute0_lowered:
.L_overlay_start_1:
0x0: {  	(tag) =	ssettag $0x1  }
0x1: {  	s1 =	rddreg [dreg:$0x0]  }
0x2: {  	s0 =	rddreg [dreg:$0x1]  }
0x3: {  	s4 =	rddreg [dreg:$0x2]  }
0x4: {  	s2 =	rddreg [dreg:$0x3];
	s3 =	simm.s32 $0x0;
	s5 =	srdreg.scid  }
0x5: {  	s6 =	stileid.u32;
	s28 =	simm.s32 $0x2100;
	s29 =	simm.s32 $0x2900  }
0x6: {  	s30 =	simm.s32 $0x3100;
	s31 =	simm.s32 $0x3900;
	s13 =	simm.s32 $0x7100  }
0x7: {  	[smem:$0x7FF] =	sst s3;
	s5 =	sand.u32 $0x1, s5;
	s7 =	sshll.u32 s6, $0xA  }
0x8: {  	s9 =	sadd.s32 $0x2200, s0;
	s10 =	sadd.s32 $0x2A00, s0;
	p0 =	sne.s32 s6, $0x0  }
0x9: {  	s6 =	simm.s32 $0x3;
	_ =	strace $0x80000047;
	s8 =	sshll.u32 s5, $0x9  }
0xa: {  	[dreg:$0x5] =	wrdreg s10;
	s11 =	sshll.u32 s5, $0x4;
	s5 =	ssub.s32 $0x2, s5  }
0xb: {  	s7 =	sor.u32 s8, s7;
	s0 =	sadd.s32 s11, s0;
	s25 =	sshrl.u32 s5, $0x1  }
0xc: {  	s11 =	simm.s32 $0x6100;
	s8 =	sshrl.u32 s7, $0x3;
	s14 =	sor.u32 $0x80, s7  }
0xd: {  	s16 =	sshll.u32 s7, $0x5;
	s18 =	sor.u32 $0x100, s7;
	s7 =	sor.u32 $0x180, s7  }
0xe: {  	s0 =	sadd.s32 $0x2E00, s0;
	s26 =	ssub.s32 s5, s25;
	s8 =	sadd.s32 s9, s8  }
0xf: {  	s12 =	sshrl.u32 s14, $0x3;
	s17 =	sadd.s32 s4, s16;
	s19 =	sshrl.u32 s18, $0x3  }
0x10: {  	s10 =	sshll.u32 s14, $0x5;
	s21 =	sshrl.u32 s7, $0x3;
	[dreg:$0xe] =	wrdreg s0  }
0x11: {  	s23 =	sshll.u32 s18, $0x5;
	s7 =	sshll.u32 s7, $0x5;
	[dreg:$0x6] =	wrdreg s8  }
0x12: {  	s0 =	sshrl.u32 @!p0 s2, $0x3;
	s14 =	simm.s32 $0x7900;
	[dreg:$0x8] =	wrdreg s17  }
0x13: {  	s16 =	simm.s32 $0x80;
	s15 =	sadd.s32 s9, s12;
	[dreg:$0xf] =	wrdreg s0  }
0x14: {  	s18 =	simm.s32 $0xB100;
	s8 =	sadd.s32 s9, s19;
	[dreg:$0x7] =	wrdreg s15  }
0x15: {  	s2 =	simm.s32 $0x10100;
	s20 =	sadd.s32 s4, s10;
	[dreg:$0x9] =	wrdreg s8  }
0x16: {  	s22 =	sadd.s32 s9, s21;
	s24 =	sadd.s32 s4, s23;
	[dreg:$0xa] =	wrdreg s20  }
0x17: {  	s4 =	sadd.s32 s4, s7;
	s9 =	simm.s32 $0x5100;
	[dreg:$0xb] =	wrdreg s22  }
0x18: {  	v3 =	vlaneseq.u32;
	s10 =	simm.s32 $0x5900;
	s12 =	simm.s32 $0x6900;
	[dreg:$0xc] =	wrdreg s24  }
0x19: {  	v0 =	vimm.f32 $1.000000000e+00;
	vm0 =	vmmov $0xffff;
	v2 =	vshrl.u32 v3, $0x3;
	s17 =	simm.s32 $0x8100;
	s23 =	simm.s32 $0xA100;
	[dreg:$0xd] =	wrdreg s4  }
0x1a: {  	v1 =	vand.u32 $0x7, v3;
	v3 =	vor.u32 $0x8, v3;
	v2 =	vmul.u32 $0x8, v2;
	s15 =	smax.u32 s26, $0x1;
	s8 =	simm.s32 $0x4900;
	s20 =	simm.s32 $0x9900  }
.LBB2_1:
0x1b: {  	[tilespmem:$0x10100] =	vst v0  }
0x1c: {  	[tilespmem:$0x10110] =	vst v0  }
0x1d: {  	[tilespmem:$0x10120] =	vst v0  }
0x1e: {  	[tilespmem:$0x10130] =	vst v0  }
0x1f: {  	[tilespmem:$0x10140] =	vst v0  }
0x20: {  	[tilespmem:$0x10150] =	vst v0  }
0x21: {  	s19 =	rddreg [dreg:$0x5];
	[tilespmem:$0x10160] =	vst v0  }
0x22: {  	[tilespmem:$0x10170] =	vst v0;
	s0 =	simm.s32 @!p0 $0x1C03;
	s24 =	rddreg [dreg:$0xf]  }
0x23: {  	[spmem:s24], [sflag:s0] =	dma.local @!p0 [hbm:s19], $0x400  }
0x24: {  	s19 =	simm.s32 @!p0 $0x3  }
0x25: {  	_ =	swait.ge @!p0 [sflag:s19], $0x400  }
0x26: {  	[sflag:s19] =	ssyncset.done @!p0 $0x0  }
0x27: {  	[sflag:s19] =	ssyncadd.s32 @!p0 $0xFFFFFC00  }
0x28: {  	[bflag:$0x0] =	sbarrier.arrive $0xFFFF  }
0x29: {  	s21 =	rddreg [dreg:$0x6]  }
0x2a: {  	[tilespmem:s3], [sflag:$0x3] =	stream.linear.gather [hbm4b:s21+s3], $0x80, $0x38;
	[tilespmem:$0x10380] =	vst v63  }
0x2b: {  	_ =	swait.ge [sflag:s6], $0x80  }
0x2c: {  	[sflag:s6] =	ssyncset.done $0x0  }
0x2d: {  	[sflag:s6] =	ssyncadd.s32 $0xFFFFFF80  }
0x2e: {  	v4 =	vld [tilespmem:$0x0];
	_ =	sdelay $0x4  }
0x2f: {  	v5 =	vshll.u32 v4, $0x1  }
0x30: {  	v4 =	vand.u32 $0x7, v4;
	v5 =	vand.u32 $0xFFFFFFF0, v5  }
0x31: {  	v4 =	vor.u32 v4, v5  }
0x32: {  	v5 =	vperm.xlane v4, v1;
	_ =	sdelay $0x1  }
0x33: {  	v4 =	vperm.xlane v4, v3;
	v5 =	vadd.s32 v2, v5;
	_ =	sdelay $0x1  }
0x34: {  	v4 =	vadd.s32 v2, v4;
	_ =	sdelay $0x1  }
0x35: {  	s26 =	simm.s32 $0x100  }
0x36: {  	[tilespmem:s26], [sflag:$0x1] =	stream.indirect_vreg.gather [hbm4b:s1+s3], $0x80, v5, vm0, $0xb8;
	[tilespmem:$0x10380] =	vst v63  }
0x37: {  	s22 =	simm.s32 $0x900  }
0x38: {  	[tilespmem:s22], [sflag:$0x1] =	stream.indirect_vreg.gather [hbm4b:s1+s3], $0x80, v4, vm0, $0xb8;
	[tilespmem:$0x10380] =	vst v63  }
0x39: {  	v4 =	vld [tilespmem:$0x10];
	_ =	sdelay $0x4  }
0x3a: {  	v5 =	vshll.u32 v4, $0x1  }
0x3b: {  	v4 =	vand.u32 $0x7, v4;
	v5 =	vand.u32 $0xFFFFFFF0, v5  }
0x3c: {  	v4 =	vor.u32 v4, v5  }
0x3d: {  	v5 =	vperm.xlane v4, v1;
	_ =	sdelay $0x1  }
0x3e: {  	v4 =	vperm.xlane v4, v3;
	v5 =	vadd.s32 v2, v5;
	_ =	sdelay $0x1  }
0x3f: {  	v4 =	vadd.s32 v2, v4;
	_ =	sdelay $0x1  }
0x40: {  	s25 =	simm.s32 $0x1100  }
0x41: {  	[tilespmem:s25], [sflag:$0x1] =	stream.indirect_vreg.gather [hbm4b:s1+s3], $0x80, v5, vm0, $0xb8;
	[tilespmem:$0x10380] =	vst v63  }
0x42: {  	s26 =	simm.s32 $0x1900  }
0x43: {  	[tilespmem:s26], [sflag:$0x1] =	stream.indirect_vreg.gather [hbm4b:s1+s3], $0x80, v4, vm0, $0xb8;
	[tilespmem:$0x10380] =	vst v63  }
0x44: {  	v4 =	vld [tilespmem:$0x20];
	_ =	sdelay $0x4  }
0x45: {  	v5 =	vshll.u32 v4, $0x1  }
0x46: {  	v4 =	vand.u32 $0x7, v4;
	v5 =	vand.u32 $0xFFFFFFF0, v5  }
0x47: {  	v4 =	vor.u32 v4, v5  }
0x48: {  	v5 =	vperm.xlane v4, v1;
	_ =	sdelay $0x1  }
0x49: {  	v4 =	vperm.xlane v4, v3;
	v5 =	vadd.s32 v2, v5;
	_ =	sdelay $0x1  }
0x4a: {  	v4 =	vadd.s32 v2, v4;
	_ =	sdelay $0x2  }
0x4b: {  	[tilespmem:s28], [sflag:$0x1] =	stream.indirect_vreg.gather [hbm4b:s1+s3], $0x80, v5, vm0, $0xb8;
	[tilespmem:$0x10380] =	vst v63  }
0x4c: {  	_ = 	snop  }
0x4d: {  	[tilespmem:s29], [sflag:$0x1] =	stream.indirect_vreg.gather [hbm4b:s1+s3], $0x80, v4, vm0, $0xb8;
	[tilespmem:$0x10380] =	vst v63  }
0x4e: {  	v4 =	vld [tilespmem:$0x30];
	_ =	sdelay $0x4  }
0x4f: {  	v5 =	vshll.u32 v4, $0x1  }
0x50: {  	v4 =	vand.u32 $0x7, v4;
	v5 =	vand.u32 $0xFFFFFFF0, v5  }
0x51: {  	v4 =	vor.u32 v4, v5  }
0x52: {  	v5 =	vperm.xlane v4, v1;
	_ =	sdelay $0x1  }
0x53: {  	v4 =	vperm.xlane v4, v3;
	v5 =	vadd.s32 v2, v5;
	_ =	sdelay $0x1  }
0x54: {  	v4 =	vadd.s32 v2, v4;
	_ =	sdelay $0x2  }
0x55: {  	[tilespmem:s30], [sflag:$0x1] =	stream.indirect_vreg.gather [hbm4b:s1+s3], $0x80, v5, vm0, $0xb8;
	[tilespmem:$0x10380] =	vst v63  }
0x56: {  	_ = 	snop  }
0x57: {  	[tilespmem:s31], [sflag:$0x1] =	stream.indirect_vreg.gather [hbm4b:s1+s3], $0x80, v4, vm0, $0xb8;
	[tilespmem:$0x10380] =	vst v63  }
0x58: {  	v4 =	vld [tilespmem:$0x40];
	_ =	sdelay $0x4  }
0x59: {  	v5 =	vshll.u32 v4, $0x1  }
0x5a: {  	v4 =	vand.u32 $0x7, v4;
	v5 =	vand.u32 $0xFFFFFFF0, v5  }
0x5b: {  	v4 =	vor.u32 v4, v5  }
0x5c: {  	v5 =	vperm.xlane v4, v1;
	_ =	sdelay $0x1  }
0x5d: {  	v4 =	vperm.xlane v4, v3;
	v5 =	vadd.s32 v2, v5;
	_ =	sdelay $0x1  }
0x5e: {  	v4 =	vadd.s32 v2, v4;
	_ =	sdelay $0x1  }
0x5f: {  	s5 =	simm.s32 $0x4100  }
0x60: {  	[tilespmem:s5], [sflag:$0x1] =	stream.indirect_vreg.gather [hbm4b:s1+s3], $0x80, v5, vm0, $0xb8;
	[tilespmem:$0x10380] =	vst v63  }
0x61: {  	_ = 	snop  }
0x62: {  	[tilespmem:s8], [sflag:$0x1] =	stream.indirect_vreg.gather [hbm4b:s1+s3], $0x80, v4, vm0, $0xb8;
	[tilespmem:$0x10380] =	vst v63  }
0x63: {  	v4 =	vld [tilespmem:$0x50];
	_ =	sdelay $0x4  }
0x64: {  	v5 =	vshll.u32 v4, $0x1  }
0x65: {  	v4 =	vand.u32 $0x7, v4;
	v5 =	vand.u32 $0xFFFFFFF0, v5  }
0x66: {  	v4 =	vor.u32 v4, v5  }
0x67: {  	v5 =	vperm.xlane v4, v1;
	_ =	sdelay $0x1  }
0x68: {  	v4 =	vperm.xlane v4, v3;
	v5 =	vadd.s32 v2, v5;
	_ =	sdelay $0x1  }
0x69: {  	v4 =	vadd.s32 v2, v4;
	_ =	sdelay $0x2  }
0x6a: {  	[tilespmem:s9], [sflag:$0x1] =	stream.indirect_vreg.gather [hbm4b:s1+s3], $0x80, v5, vm0, $0xb8;
	[tilespmem:$0x10380] =	vst v63  }
0x6b: {  	_ = 	snop  }
0x6c: {  	[tilespmem:s10], [sflag:$0x1] =	stream.indirect_vreg.gather [hbm4b:s1+s3], $0x80, v4, vm0, $0xb8;
	[tilespmem:$0x10380] =	vst v63  }
0x6d: {  	v4 =	vld [tilespmem:$0x60];
	_ =	sdelay $0x4  }
0x6e: {  	v5 =	vshll.u32 v4, $0x1  }
0x6f: {  	v4 =	vand.u32 $0x7, v4;
	v5 =	vand.u32 $0xFFFFFFF0, v5  }
0x70: {  	v4 =	vor.u32 v4, v5  }
0x71: {  	v5 =	vperm.xlane v4, v1;
	_ =	sdelay $0x1  }
0x72: {  	v4 =	vperm.xlane v4, v3;
	v5 =	vadd.s32 v2, v5;
	_ =	sdelay $0x1  }
0x73: {  	v4 =	vadd.s32 v2, v4;
	_ =	sdelay $0x2  }
0x74: {  	[tilespmem:s11], [sflag:$0x1] =	stream.indirect_vreg.gather [hbm4b:s1+s3], $0x80, v5, vm0, $0xb8;
	[tilespmem:$0x10380] =	vst v63  }
0x75: {  	_ = 	snop  }
0x76: {  	[tilespmem:s12], [sflag:$0x1] =	stream.indirect_vreg.gather [hbm4b:s1+s3], $0x80, v4, vm0, $0xb8;
	[tilespmem:$0x10380] =	vst v63  }
0x77: {  	v4 =	vld [tilespmem:$0x70];
	_ =	sdelay $0x4  }
0x78: {  	v5 =	vshll.u32 v4, $0x1  }
0x79: {  	v4 =	vand.u32 $0x7, v4;
	v5 =	vand.u32 $0xFFFFFFF0, v5  }
0x7a: {  	v4 =	vor.u32 v4, v5  }
0x7b: {  	v5 =	vperm.xlane v4, v1;
	_ =	sdelay $0x1  }
0x7c: {  	v4 =	vperm.xlane v4, v3;
	v5 =	vadd.s32 v2, v5;
	_ =	sdelay $0x1  }
0x7d: {  	v4 =	vadd.s32 v2, v4;
	_ =	sdelay $0x2  }
0x7e: {  	[tilespmem:s13], [sflag:$0x1] =	stream.indirect_vreg.gather [hbm4b:s1+s3], $0x80, v5, vm0, $0xb8;
	[tilespmem:$0x10380] =	vst v63  }
0x7f: {  	_ = 	snop  }
0x80: {  	[tilespmem:s14], [sflag:$0x1] =	stream.indirect_vreg.gather [hbm4b:s1+s3], $0x80, v4, vm0, $0xb8;
	[tilespmem:$0x10380] =	vst v63  }
0x81: {  	s4 =	rddreg [dreg:$0x7]  }
0x82: {  	[tilespmem:s16], [sflag:$0x3] =	stream.linear.gather [hbm4b:s4+s3], $0x80, $0x38;
	[tilespmem:$0x10380] =	vst v63  }
0x83: {  	_ =	swait.ge [sflag:s6], $0x80  }
0x84: {  	[sflag:s6] =	ssyncset.done $0x0  }
0x85: {  	[sflag:s6] =	ssyncadd.s32 $0xFFFFFF80  }
0x86: {  	v4 =	vld [tilespmem:$0x80];
	_ =	sdelay $0x4  }
0x87: {  	v5 =	vshll.u32 v4, $0x1  }
0x88: {  	v4 =	vand.u32 $0x7, v4;
	v5 =	vand.u32 $0xFFFFFFF0, v5  }
0x89: {  	v4 =	vor.u32 v4, v5  }
0x8a: {  	v5 =	vperm.xlane v4, v1;
	_ =	sdelay $0x1  }
0x8b: {  	v4 =	vperm.xlane v4, v3;
	v5 =	vadd.s32 v2, v5;
	_ =	sdelay $0x1  }
0x8c: {  	v4 =	vadd.s32 v2, v4;
	_ =	sdelay $0x2  }
0x8d: {  	[tilespmem:s17], [sflag:$0x2] =	stream.indirect_vreg.gather [hbm4b:s1+s3], $0x80, v5, vm0, $0xb8;
	[tilespmem:$0x10380] =	vst v63  }
0x8e: {  	s7 =	simm.s32 $0x8900  }
0x8f: {  	[tilespmem:s7], [sflag:$0x2] =	stream.indirect_vreg.gather [hbm4b:s1+s3], $0x80, v4, vm0, $0xb8;
	[tilespmem:$0x10380] =	vst v63  }
0x90: {  	v4 =	vld [tilespmem:$0x90];
	_ =	sdelay $0x4  }
0x91: {  	v5 =	vshll.u32 v4, $0x1  }
0x92: {  	v4 =	vand.u32 $0x7, v4;
	v5 =	vand.u32 $0xFFFFFFF0, v5  }
0x93: {  	v4 =	vor.u32 v4, v5  }
0x94: {  	v5 =	vperm.xlane v4, v1;
	_ =	sdelay $0x1  }
0x95: {  	v4 =	vperm.xlane v4, v3;
	v5 =	vadd.s32 v2, v5;
	_ =	sdelay $0x1  }
0x96: {  	v4 =	vadd.s32 v2, v4;
	_ =	sdelay $0x1  }
0x97: {  	s21 =	simm.s32 $0x9100  }
0x98: {  	[tilespmem:s21], [sflag:$0x2] =	stream.indirect_vreg.gather [hbm4b:s1+s3], $0x80, v5, vm0, $0xb8;
	[tilespmem:$0x10380] =	vst v63  }
0x99: {  	_ = 	snop  }
0x9a: {  	[tilespmem:s20], [sflag:$0x2] =	stream.indirect_vreg.gather [hbm4b:s1+s3], $0x80, v4, vm0, $0xb8;
	[tilespmem:$0x10380] =	vst v63  }
0x9b: {  	v4 =	vld [tilespmem:$0xA0];
	_ =	sdelay $0x4  }
0x9c: {  	v5 =	vshll.u32 v4, $0x1  }
0x9d: {  	v4 =	vand.u32 $0x7, v4;
	v5 =	vand.u32 $0xFFFFFFF0, v5  }
0x9e: {  	v4 =	vor.u32 v4, v5  }
0x9f: {  	v5 =	vperm.xlane v4, v1;
	_ =	sdelay $0x1  }
0xa0: {  	v4 =	vperm.xlane v4, v3;
	v5 =	vadd.s32 v2, v5;
	_ =	sdelay $0x1  }
0xa1: {  	v4 =	vadd.s32 v2, v4;
	_ =	sdelay $0x2  }
0xa2: {  	[tilespmem:s23], [sflag:$0x2] =	stream.indirect_vreg.gather [hbm4b:s1+s3], $0x80, v5, vm0, $0xb8;
	[tilespmem:$0x10380] =	vst v63  }
0xa3: {  	s4 =	simm.s32 $0xA900  }
0xa4: {  	[tilespmem:s4], [sflag:$0x2] =	stream.indirect_vreg.gather [hbm4b:s1+s3], $0x80, v4, vm0, $0xb8;
	[tilespmem:$0x10380] =	vst v63  }
0xa5: {  	v4 =	vld [tilespmem:$0xB0];
	_ =	sdelay $0x4  }
0xa6: {  	v5 =	vshll.u32 v4, $0x1  }
0xa7: {  	v4 =	vand.u32 $0x7, v4;
	v5 =	vand.u32 $0xFFFFFFF0, v5  }
0xa8: {  	v4 =	vor.u32 v4, v5  }
0xa9: {  	v5 =	vperm.xlane v4, v1;
	_ =	sdelay $0x1  }
0xaa: {  	v4 =	vperm.xlane v4, v3;
	v5 =	vadd.s32 v2, v5;
	_ =	sdelay $0x1  }
0xab: {  	v4 =	vadd.s32 v2, v4;
	_ =	sdelay $0x2  }
0xac: {  	[tilespmem:s18], [sflag:$0x2] =	stream.indirect_vreg.gather [hbm4b:s1+s3], $0x80, v5, vm0, $0xb8;
	[tilespmem:$0x10380] =	vst v63  }
0xad: {  	s7 =	simm.s32 $0xB900  }
0xae: {  	[tilespmem:s7], [sflag:$0x2] =	stream.indirect_vreg.gather [hbm4b:s1+s3], $0x80, v4, vm0, $0xb8;
	[tilespmem:$0x10380] =	vst v63  }
0xaf: {  	v4 =	vld [tilespmem:$0xC0];
	_ =	sdelay $0x4  }
0xb0: {  	v5 =	vshll.u32 v4, $0x1  }
0xb1: {  	v4 =	vand.u32 $0x7, v4;
	v5 =	vand.u32 $0xFFFFFFF0, v5  }
0xb2: {  	v4 =	vor.u32 v4, v5  }
0xb3: {  	v5 =	vperm.xlane v4, v1;
	_ =	sdelay $0x1  }
0xb4: {  	v4 =	vperm.xlane v4, v3;
	v5 =	vadd.s32 v2, v5;
	_ =	sdelay $0x1  }
0xb5: {  	v4 =	vadd.s32 v2, v4;
	_ =	sdelay $0x1  }
0xb6: {  	s21 =	simm.s32 $0xC100  }
0xb7: {  	[tilespmem:s21], [sflag:$0x2] =	stream.indirect_vreg.gather [hbm4b:s1+s3], $0x80, v5, vm0, $0xb8;
	[tilespmem:$0x10380] =	vst v63  }
0xb8: {  	s4 =	simm.s32 $0xC900  }
0xb9: {  	[tilespmem:s4], [sflag:$0x2] =	stream.indirect_vreg.gather [hbm4b:s1+s3], $0x80, v4, vm0, $0xb8;
	[tilespmem:$0x10380] =	vst v63  }
0xba: {  	v4 =	vld [tilespmem:$0xD0];
	_ =	sdelay $0x4  }
0xbb: {  	v5 =	vshll.u32 v4, $0x1  }
0xbc: {  	v4 =	vand.u32 $0x7, v4;
	v5 =	vand.u32 $0xFFFFFFF0, v5  }
0xbd: {  	v4 =	vor.u32 v4, v5  }
0xbe: {  	v5 =	vperm.xlane v4, v1;
	_ =	sdelay $0x1  }
0xbf: {  	v4 =	vperm.xlane v4, v3;
	v5 =	vadd.s32 v2, v5;
	_ =	sdelay $0x1  }
0xc0: {  	v4 =	vadd.s32 v2, v4;
	_ =	sdelay $0x1  }
0xc1: {  	s7 =	simm.s32 $0xD100  }
0xc2: {  	[tilespmem:s7], [sflag:$0x2] =	stream.indirect_vreg.gather [hbm4b:s1+s3], $0x80, v5, vm0, $0xb8;
	[tilespmem:$0x10380] =	vst v63  }
0xc3: {  	s21 =	simm.s32 $0xD900  }
0xc4: {  	[tilespmem:s21], [sflag:$0x2] =	stream.indirect_vreg.gather [hbm4b:s1+s3], $0x80, v4, vm0, $0xb8;
	[tilespmem:$0x10380] =	vst v63  }
0xc5: {  	v4 =	vld [tilespmem:$0xE0];
	_ =	sdelay $0x4  }
0xc6: {  	v5 =	vshll.u32 v4, $0x1  }
0xc7: {  	v4 =	vand.u32 $0x7, v4;
	v5 =	vand.u32 $0xFFFFFFF0, v5  }
0xc8: {  	v4 =	vor.u32 v4, v5  }
0xc9: {  	v5 =	vperm.xlane v4, v1;
	_ =	sdelay $0x1  }
0xca: {  	v4 =	vperm.xlane v4, v3;
	v5 =	vadd.s32 v2, v5;
	_ =	sdelay $0x1  }
0xcb: {  	v4 =	vadd.s32 v2, v4;
	_ =	sdelay $0x1  }
0xcc: {  	s4 =	simm.s32 $0xE100  }
0xcd: {  	[tilespmem:s4], [sflag:$0x2] =	stream.indirect_vreg.gather [hbm4b:s1+s3], $0x80, v5, vm0, $0xb8;
	[tilespmem:$0x10380] =	vst v63  }
0xce: {  	s7 =	simm.s32 $0xE900  }
0xcf: {  	[tilespmem:s7], [sflag:$0x2] =	stream.indirect_vreg.gather [hbm4b:s1+s3], $0x80, v4, vm0, $0xb8;
	[tilespmem:$0x10380] =	vst v63  }
0xd0: {  	v4 =	vld [tilespmem:$0xF0];
	_ =	sdelay $0x4  }
0xd1: {  	v5 =	vshll.u32 v4, $0x1  }
0xd2: {  	v4 =	vand.u32 $0x7, v4;
	v5 =	vand.u32 $0xFFFFFFF0, v5  }
0xd3: {  	v4 =	vor.u32 v4, v5  }
0xd4: {  	v5 =	vperm.xlane v4, v1;
	_ =	sdelay $0x1  }
0xd5: {  	v4 =	vperm.xlane v4, v3;
	v5 =	vadd.s32 v2, v5;
	_ =	sdelay $0x1  }
0xd6: {  	v4 =	vadd.s32 v2, v4;
	_ =	sdelay $0x1  }
0xd7: {  	s21 =	simm.s32 $0xF100  }
0xd8: {  	[tilespmem:s21], [sflag:$0x2] =	stream.indirect_vreg.gather [hbm4b:s1+s3], $0x80, v5, vm0, $0xb8;
	[tilespmem:$0x10380] =	vst v63  }
0xd9: {  	s0 =	simm.s32 $0x1;
	s4 =	simm.s32 $0xF900  }
0xda: {  	[tilespmem:s4], [sflag:$0x2] =	stream.indirect_vreg.gather [hbm4b:s1+s3], $0x80, v4, vm0, $0xb8;
	[tilespmem:$0x10380] =	vst v63  }
0xdb: {  	_ =	swait.ge [sflag:s0], $0x8000  }
0xdc: {  	[sflag:s0] =	ssyncset.done $0x0  }
0xdd: {  	s4 =	simm.s32 $0x100;
	s7 =	rddreg [dreg:$0x8];
	[sflag:s0] =	ssyncadd.s32 $0xFFFF8000  }
0xde: {  	[hbm4b:s7+s3] =	stream.linear.scatter [tilespmem:s4], [sflag:$0x3], $0x8000, $0x38;
	[tilespmem:$0x10380] =	vst v63  }
0xdf: {  	_ =	swait.ge [sflag:s6], $0x8000  }
0xe0: {  	[sflag:s6] =	ssyncset.done $0x0  }
0xe1: {  	[sflag:s6] =	ssyncadd.s32 $0xFFFF8000  }
0xe2: {  	s7 =	rddreg [dreg:$0x3]  }
0xe3: {  	[spmem:s7] =	stream.indirect.scatter.add.f32 [tilespmem:s2], [sflag:$0x3], $0x1, s3, s16, $0xb8;
	[tilespmem:$0x10380] =	vst v63  }
0xe4: {  	_ =	swait.ge [sflag:s6], $0x80  }
0xe5: {  	[sflag:s6] =	ssyncset.done $0x0  }
0xe6: {  	s21 =	rddreg [dreg:$0x9];
	[sflag:s6] =	ssyncadd.s32 $0xFFFFFF80  }
0xe7: {  	[tilespmem:s3], [sflag:$0x3] =	stream.linear.gather [hbm4b:s21+s3], $0x80, $0x38;
	[tilespmem:$0x10380] =	vst v63  }
0xe8: {  	_ =	swait.ge [sflag:s6], $0x80  }
0xe9: {  	[sflag:s6] =	ssyncset.done $0x0  }
0xea: {  	[sflag:s6] =	ssyncadd.s32 $0xFFFFFF80  }
0xeb: {  	v4 =	vld [tilespmem:$0x0];
	_ =	sdelay $0x4  }
0xec: {  	v5 =	vshll.u32 v4, $0x1  }
0xed: {  	v4 =	vand.u32 $0x7, v4;
	v5 =	vand.u32 $0xFFFFFFF0, v5  }
0xee: {  	v4 =	vor.u32 v4, v5  }
0xef: {  	v5 =	vperm.xlane v4, v1;
	_ =	sdelay $0x1  }
0xf0: {  	v4 =	vperm.xlane v4, v3;
	v5 =	vadd.s32 v2, v5;
	_ =	sdelay $0x1  }
0xf1: {  	v4 =	vadd.s32 v2, v4;
	_ =	sdelay $0x2  }
0xf2: {  	[tilespmem:s4], [sflag:$0x1] =	stream.indirect_vreg.gather [hbm4b:s1+s3], $0x80, v5, vm0, $0xb8;
	[tilespmem:$0x10380] =	vst v63  }
0xf3: {  	_ = 	snop  }
0xf4: {  	[tilespmem:s22], [sflag:$0x1] =	stream.indirect_vreg.gather [hbm4b:s1+s3], $0x80, v4, vm0, $0xb8;
	[tilespmem:$0x10380] =	vst v63  }
0xf5: {  	v4 =	vld [tilespmem:$0x10];
	_ =	sdelay $0x4  }
0xf6: {  	v5 =	vshll.u32 v4, $0x1  }
0xf7: {  	v4 =	vand.u32 $0x7, v4;
	v5 =	vand.u32 $0xFFFFFFF0, v5  }
0xf8: {  	v4 =	vor.u32 v4, v5  }
0xf9: {  	v5 =	vperm.xlane v4, v1;
	_ =	sdelay $0x1  }
0xfa: {  	v4 =	vperm.xlane v4, v3;
	v5 =	vadd.s32 v2, v5;
	_ =	sdelay $0x1  }
0xfb: {  	v4 =	vadd.s32 v2, v4;
	_ =	sdelay $0x2  }
0xfc: {  	[tilespmem:s25], [sflag:$0x1] =	stream.indirect_vreg.gather [hbm4b:s1+s3], $0x80, v5, vm0, $0xb8;
	[tilespmem:$0x10380] =	vst v63  }
0xfd: {  	_ = 	snop  }
0xfe: {  	[tilespmem:s26], [sflag:$0x1] =	stream.indirect_vreg.gather [hbm4b:s1+s3], $0x80, v4, vm0, $0xb8;
	[tilespmem:$0x10380] =	vst v63  }
0xff: {  	v4 =	vld [tilespmem:$0x20];
	_ =	sdelay $0x4  }
0x100: {  	v5 =	vshll.u32 v4, $0x1  }
0x101: {  	v4 =	vand.u32 $0x7, v4;
	v5 =	vand.u32 $0xFFFFFFF0, v5  }
0x102: {  	v4 =	vor.u32 v4, v5  }
0x103: {  	v5 =	vperm.xlane v4, v1;
	_ =	sdelay $0x1  }
0x104: {  	v4 =	vperm.xlane v4, v3;
	v5 =	vadd.s32 v2, v5;
	_ =	sdelay $0x1  }
0x105: {  	v4 =	vadd.s32 v2, v4;
	_ =	sdelay $0x2  }
0x106: {  	[tilespmem:s28], [sflag:$0x1] =	stream.indirect_vreg.gather [hbm4b:s1+s3], $0x80, v5, vm0, $0xb8;
	[tilespmem:$0x10380] =	vst v63  }
0x107: {  	_ = 	snop  }
0x108: {  	[tilespmem:s29], [sflag:$0x1] =	stream.indirect_vreg.gather [hbm4b:s1+s3], $0x80, v4, vm0, $0xb8;
	[tilespmem:$0x10380] =	vst v63  }
0x109: {  	v4 =	vld [tilespmem:$0x30];
	_ =	sdelay $0x4  }
0x10a: {  	v5 =	vshll.u32 v4, $0x1  }
0x10b: {  	v4 =	vand.u32 $0x7, v4;
	v5 =	vand.u32 $0xFFFFFFF0, v5  }
0x10c: {  	v4 =	vor.u32 v4, v5  }
0x10d: {  	v5 =	vperm.xlane v4, v1;
	_ =	sdelay $0x1  }
0x10e: {  	v4 =	vperm.xlane v4, v3;
	v5 =	vadd.s32 v2, v5;
	_ =	sdelay $0x1  }
0x10f: {  	v4 =	vadd.s32 v2, v4;
	_ =	sdelay $0x2  }
0x110: {  	[tilespmem:s30], [sflag:$0x1] =	stream.indirect_vreg.gather [hbm4b:s1+s3], $0x80, v5, vm0, $0xb8;
	[tilespmem:$0x10380] =	vst v63  }
0x111: {  	_ = 	snop  }
0x112: {  	[tilespmem:s31], [sflag:$0x1] =	stream.indirect_vreg.gather [hbm4b:s1+s3], $0x80, v4, vm0, $0xb8;
	[tilespmem:$0x10380] =	vst v63  }
0x113: {  	v4 =	vld [tilespmem:$0x40];
	_ =	sdelay $0x4  }
0x114: {  	v5 =	vshll.u32 v4, $0x1  }
0x115: {  	v4 =	vand.u32 $0x7, v4;
	v5 =	vand.u32 $0xFFFFFFF0, v5  }
0x116: {  	v4 =	vor.u32 v4, v5  }
0x117: {  	v5 =	vperm.xlane v4, v1;
	_ =	sdelay $0x1  }
0x118: {  	v4 =	vperm.xlane v4, v3;
	v5 =	vadd.s32 v2, v5;
	_ =	sdelay $0x1  }
0x119: {  	v4 =	vadd.s32 v2, v4;
	_ =	sdelay $0x2  }
0x11a: {  	[tilespmem:s5], [sflag:$0x1] =	stream.indirect_vreg.gather [hbm4b:s1+s3], $0x80, v5, vm0, $0xb8;
	[tilespmem:$0x10380] =	vst v63  }
0x11b: {  	_ = 	snop  }
0x11c: {  	[tilespmem:s8], [sflag:$0x1] =	stream.indirect_vreg.gather [hbm4b:s1+s3], $0x80, v4, vm0, $0xb8;
	[tilespmem:$0x10380] =	vst v63  }
0x11d: {  	v4 =	vld [tilespmem:$0x50];
	_ =	sdelay $0x4  }
0x11e: {  	v5 =	vshll.u32 v4, $0x1  }
0x11f: {  	v4 =	vand.u32 $0x7, v4;
	v5 =	vand.u32 $0xFFFFFFF0, v5  }
0x120: {  	v4 =	vor.u32 v4, v5  }
0x121: {  	v5 =	vperm.xlane v4, v1;
	_ =	sdelay $0x1  }
0x122: {  	v4 =	vperm.xlane v4, v3;
	v5 =	vadd.s32 v2, v5;
	_ =	sdelay $0x1  }
0x123: {  	v4 =	vadd.s32 v2, v4;
	_ =	sdelay $0x2  }
0x124: {  	[tilespmem:s9], [sflag:$0x1] =	stream.indirect_vreg.gather [hbm4b:s1+s3], $0x80, v5, vm0, $0xb8;
	[tilespmem:$0x10380] =	vst v63  }
0x125: {  	_ = 	snop  }
0x126: {  	[tilespmem:s10], [sflag:$0x1] =	stream.indirect_vreg.gather [hbm4b:s1+s3], $0x80, v4, vm0, $0xb8;
	[tilespmem:$0x10380] =	vst v63  }
0x127: {  	v4 =	vld [tilespmem:$0x60];
	_ =	sdelay $0x4  }
0x128: {  	v5 =	vshll.u32 v4, $0x1  }
0x129: {  	v4 =	vand.u32 $0x7, v4;
	v5 =	vand.u32 $0xFFFFFFF0, v5  }
0x12a: {  	v4 =	vor.u32 v4, v5  }
0x12b: {  	v5 =	vperm.xlane v4, v1;
	_ =	sdelay $0x1  }
0x12c: {  	v4 =	vperm.xlane v4, v3;
	v5 =	vadd.s32 v2, v5;
	_ =	sdelay $0x1  }
0x12d: {  	v4 =	vadd.s32 v2, v4;
	_ =	sdelay $0x2  }
0x12e: {  	[tilespmem:s11], [sflag:$0x1] =	stream.indirect_vreg.gather [hbm4b:s1+s3], $0x80, v5, vm0, $0xb8;
	[tilespmem:$0x10380] =	vst v63  }
0x12f: {  	_ = 	snop  }
0x130: {  	[tilespmem:s12], [sflag:$0x1] =	stream.indirect_vreg.gather [hbm4b:s1+s3], $0x80, v4, vm0, $0xb8;
	[tilespmem:$0x10380] =	vst v63  }
0x131: {  	v4 =	vld [tilespmem:$0x70];
	_ =	sdelay $0x4  }
0x132: {  	v5 =	vshll.u32 v4, $0x1  }
0x133: {  	v4 =	vand.u32 $0x7, v4;
	v5 =	vand.u32 $0xFFFFFFF0, v5  }
0x134: {  	v4 =	vor.u32 v4, v5  }
0x135: {  	v5 =	vperm.xlane v4, v1;
	_ =	sdelay $0x1  }
0x136: {  	v4 =	vperm.xlane v4, v3;
	v5 =	vadd.s32 v2, v5;
	_ =	sdelay $0x1  }
0x137: {  	v4 =	vadd.s32 v2, v4;
	_ =	sdelay $0x2  }
0x138: {  	[tilespmem:s13], [sflag:$0x1] =	stream.indirect_vreg.gather [hbm4b:s1+s3], $0x80, v5, vm0, $0xb8;
	[tilespmem:$0x10380] =	vst v63  }
0x139: {  	s5 =	simm.s32 $0x2  }
0x13a: {  	[tilespmem:s14], [sflag:$0x1] =	stream.indirect_vreg.gather [hbm4b:s1+s3], $0x80, v4, vm0, $0xb8;
	[tilespmem:$0x10380] =	vst v63  }
0x13b: {  	_ =	swait.ge [sflag:s5], $0x8000  }
0x13c: {  	[sflag:s5] =	ssyncset.done $0x0  }
0x13d: {  	s26 =	rddreg [dreg:$0xa];
	[sflag:s5] =	ssyncadd.s32 $0xFFFF8000  }
0x13e: {  	[hbm4b:s26+s3] =	stream.linear.scatter [tilespmem:s17], [sflag:$0x3], $0x8000, $0x38;
	[tilespmem:$0x10380] =	vst v63  }
0x13f: {  	_ =	swait.ge [sflag:s6], $0x8000  }
0x140: {  	[sflag:s6] =	ssyncset.done $0x0  }
0x141: {  	[sflag:s6] =	ssyncadd.s32 $0xFFFF8000  }
0x142: {  	[spmem:s7] =	stream.indirect.scatter.add.f32 [tilespmem:s2], [sflag:$0x3], $0x1, s16, s16, $0xb8;
	[tilespmem:$0x10380] =	vst v63  }
0x143: {  	_ =	swait.ge [sflag:s6], $0x80  }
0x144: {  	[sflag:s6] =	ssyncset.done $0x0  }
0x145: {  	s4 =	rddreg [dreg:$0xb];
	[sflag:s6] =	ssyncadd.s32 $0xFFFFFF80  }
0x146: {  	[tilespmem:s16], [sflag:$0x3] =	stream.linear.gather [hbm4b:s4+s3], $0x80, $0x38;
	[tilespmem:$0x10380] =	vst v63  }
0x147: {  	_ =	swait.ge [sflag:s6], $0x80  }
0x148: {  	[sflag:s6] =	ssyncset.done $0x0  }
0x149: {  	[sflag:s6] =	ssyncadd.s32 $0xFFFFFF80  }
0x14a: {  	v4 =	vld [tilespmem:$0x80];
	_ =	sdelay $0x4  }
0x14b: {  	v5 =	vshll.u32 v4, $0x1  }
0x14c: {  	v4 =	vand.u32 $0x7, v4;
	v5 =	vand.u32 $0xFFFFFFF0, v5  }
0x14d: {  	v4 =	vor.u32 v4, v5  }
0x14e: {  	v5 =	vperm.xlane v4, v1;
	_ =	sdelay $0x1  }
0x14f: {  	v4 =	vperm.xlane v4, v3;
	v5 =	vadd.s32 v2, v5;
	_ =	sdelay $0x1  }
0x150: {  	v4 =	vadd.s32 v2, v4;
	_ =	sdelay $0x2  }
0x151: {  	[tilespmem:s17], [sflag:$0x2] =	stream.indirect_vreg.gather [hbm4b:s1+s3], $0x80, v5, vm0, $0xb8;
	[tilespmem:$0x10380] =	vst v63  }
0x152: {  	s22 =	simm.s32 $0x8900  }
0x153: {  	[tilespmem:s22], [sflag:$0x2] =	stream.indirect_vreg.gather [hbm4b:s1+s3], $0x80, v4, vm0, $0xb8;
	[tilespmem:$0x10380] =	vst v63  }
0x154: {  	v4 =	vld [tilespmem:$0x90];
	_ =	sdelay $0x4  }
0x155: {  	v5 =	vshll.u32 v4, $0x1  }
0x156: {  	v4 =	vand.u32 $0x7, v4;
	v5 =	vand.u32 $0xFFFFFFF0, v5  }
0x157: {  	v4 =	vor.u32 v4, v5  }
0x158: {  	v5 =	vperm.xlane v4, v1;
	_ =	sdelay $0x1  }
0x159: {  	v4 =	vperm.xlane v4, v3;
	v5 =	vadd.s32 v2, v5;
	_ =	sdelay $0x1  }
0x15a: {  	v4 =	vadd.s32 v2, v4;
	_ =	sdelay $0x1  }
0x15b: {  	s25 =	simm.s32 $0x9100  }
0x15c: {  	[tilespmem:s25], [sflag:$0x2] =	stream.indirect_vreg.gather [hbm4b:s1+s3], $0x80, v5, vm0, $0xb8;
	[tilespmem:$0x10380] =	vst v63  }
0x15d: {  	_ = 	snop  }
0x15e: {  	[tilespmem:s20], [sflag:$0x2] =	stream.indirect_vreg.gather [hbm4b:s1+s3], $0x80, v4, vm0, $0xb8;
	[tilespmem:$0x10380] =	vst v63  }
0x15f: {  	v4 =	vld [tilespmem:$0xA0];
	_ =	sdelay $0x4  }
0x160: {  	v5 =	vshll.u32 v4, $0x1  }
0x161: {  	v4 =	vand.u32 $0x7, v4;
	v5 =	vand.u32 $0xFFFFFFF0, v5  }
0x162: {  	v4 =	vor.u32 v4, v5  }
0x163: {  	v5 =	vperm.xlane v4, v1;
	_ =	sdelay $0x1  }
0x164: {  	v4 =	vperm.xlane v4, v3;
	v5 =	vadd.s32 v2, v5;
	_ =	sdelay $0x1  }
0x165: {  	v4 =	vadd.s32 v2, v4;
	_ =	sdelay $0x2  }
0x166: {  	[tilespmem:s23], [sflag:$0x2] =	stream.indirect_vreg.gather [hbm4b:s1+s3], $0x80, v5, vm0, $0xb8;
	[tilespmem:$0x10380] =	vst v63  }
0x167: {  	s26 =	simm.s32 $0xA900  }
0x168: {  	[tilespmem:s26], [sflag:$0x2] =	stream.indirect_vreg.gather [hbm4b:s1+s3], $0x80, v4, vm0, $0xb8;
	[tilespmem:$0x10380] =	vst v63  }
0x169: {  	v4 =	vld [tilespmem:$0xB0];
	_ =	sdelay $0x4  }
0x16a: {  	v5 =	vshll.u32 v4, $0x1  }
0x16b: {  	v4 =	vand.u32 $0x7, v4;
	v5 =	vand.u32 $0xFFFFFFF0, v5  }
0x16c: {  	v4 =	vor.u32 v4, v5  }
0x16d: {  	v5 =	vperm.xlane v4, v1;
	_ =	sdelay $0x1  }
0x16e: {  	v4 =	vperm.xlane v4, v3;
	v5 =	vadd.s32 v2, v5;
	_ =	sdelay $0x1  }
0x16f: {  	v4 =	vadd.s32 v2, v4;
	_ =	sdelay $0x2  }
0x170: {  	[tilespmem:s18], [sflag:$0x2] =	stream.indirect_vreg.gather [hbm4b:s1+s3], $0x80, v5, vm0, $0xb8;
	[tilespmem:$0x10380] =	vst v63  }
0x171: {  	s21 =	simm.s32 $0xB900  }
0x172: {  	[tilespmem:s21], [sflag:$0x2] =	stream.indirect_vreg.gather [hbm4b:s1+s3], $0x80, v4, vm0, $0xb8;
	[tilespmem:$0x10380] =	vst v63  }
0x173: {  	v4 =	vld [tilespmem:$0xC0];
	_ =	sdelay $0x4  }
0x174: {  	v5 =	vshll.u32 v4, $0x1  }
0x175: {  	v4 =	vand.u32 $0x7, v4;
	v5 =	vand.u32 $0xFFFFFFF0, v5  }
0x176: {  	v4 =	vor.u32 v4, v5  }
0x177: {  	v5 =	vperm.xlane v4, v1;
	_ =	sdelay $0x1  }
0x178: {  	v4 =	vperm.xlane v4, v3;
	v5 =	vadd.s32 v2, v5;
	_ =	sdelay $0x1  }
0x179: {  	v4 =	vadd.s32 v2, v4;
	_ =	sdelay $0x1  }
0x17a: {  	s22 =	simm.s32 $0xC100  }
0x17b: {  	[tilespmem:s22], [sflag:$0x2] =	stream.indirect_vreg.gather [hbm4b:s1+s3], $0x80, v5, vm0, $0xb8;
	[tilespmem:$0x10380] =	vst v63  }
0x17c: {  	s25 =	simm.s32 $0xC900  }
0x17d: {  	[tilespmem:s25], [sflag:$0x2] =	stream.indirect_vreg.gather [hbm4b:s1+s3], $0x80, v4, vm0, $0xb8;
	[tilespmem:$0x10380] =	vst v63  }
0x17e: {  	v4 =	vld [tilespmem:$0xD0];
	_ =	sdelay $0x4  }
0x17f: {  	v5 =	vshll.u32 v4, $0x1  }
0x180: {  	v4 =	vand.u32 $0x7, v4;
	v5 =	vand.u32 $0xFFFFFFF0, v5  }
0x181: {  	v4 =	vor.u32 v4, v5  }
0x182: {  	v5 =	vperm.xlane v4, v1;
	_ =	sdelay $0x1  }
0x183: {  	v4 =	vperm.xlane v4, v3;
	v5 =	vadd.s32 v2, v5;
	_ =	sdelay $0x1  }
0x184: {  	v4 =	vadd.s32 v2, v4;
	_ =	sdelay $0x1  }
0x185: {  	s26 =	simm.s32 $0xD100  }
0x186: {  	[tilespmem:s26], [sflag:$0x2] =	stream.indirect_vreg.gather [hbm4b:s1+s3], $0x80, v5, vm0, $0xb8;
	[tilespmem:$0x10380] =	vst v63  }
0x187: {  	s21 =	simm.s32 $0xD900  }
0x188: {  	[tilespmem:s21], [sflag:$0x2] =	stream.indirect_vreg.gather [hbm4b:s1+s3], $0x80, v4, vm0, $0xb8;
	[tilespmem:$0x10380] =	vst v63  }
0x189: {  	v4 =	vld [tilespmem:$0xE0];
	_ =	sdelay $0x4  }
0x18a: {  	v5 =	vshll.u32 v4, $0x1  }
0x18b: {  	v4 =	vand.u32 $0x7, v4;
	v5 =	vand.u32 $0xFFFFFFF0, v5  }
0x18c: {  	v4 =	vor.u32 v4, v5  }
0x18d: {  	v5 =	vperm.xlane v4, v1;
	_ =	sdelay $0x1  }
0x18e: {  	v4 =	vperm.xlane v4, v3;
	v5 =	vadd.s32 v2, v5;
	_ =	sdelay $0x1  }
0x18f: {  	v4 =	vadd.s32 v2, v4;
	_ =	sdelay $0x1  }
0x190: {  	s22 =	simm.s32 $0xE100  }
0x191: {  	[tilespmem:s22], [sflag:$0x2] =	stream.indirect_vreg.gather [hbm4b:s1+s3], $0x80, v5, vm0, $0xb8;
	[tilespmem:$0x10380] =	vst v63  }
0x192: {  	s25 =	simm.s32 $0xE900  }
0x193: {  	[tilespmem:s25], [sflag:$0x2] =	stream.indirect_vreg.gather [hbm4b:s1+s3], $0x80, v4, vm0, $0xb8;
	[tilespmem:$0x10380] =	vst v63  }
0x194: {  	v4 =	vld [tilespmem:$0xF0];
	_ =	sdelay $0x4  }
0x195: {  	v5 =	vshll.u32 v4, $0x1  }
0x196: {  	v4 =	vand.u32 $0x7, v4;
	v5 =	vand.u32 $0xFFFFFFF0, v5  }
0x197: {  	v4 =	vor.u32 v4, v5  }
0x198: {  	v5 =	vperm.xlane v4, v1;
	_ =	sdelay $0x1  }
0x199: {  	v4 =	vperm.xlane v4, v3;
	v5 =	vadd.s32 v2, v5;
	_ =	sdelay $0x1  }
0x19a: {  	v4 =	vadd.s32 v2, v4;
	_ =	sdelay $0x1  }
0x19b: {  	s26 =	simm.s32 $0xF100  }
0x19c: {  	[tilespmem:s26], [sflag:$0x2] =	stream.indirect_vreg.gather [hbm4b:s1+s3], $0x80, v5, vm0, $0xb8;
	[tilespmem:$0x10380] =	vst v63  }
0x19d: {  	s21 =	simm.s32 $0xF900  }
0x19e: {  	[tilespmem:s21], [sflag:$0x2] =	stream.indirect_vreg.gather [hbm4b:s1+s3], $0x80, v4, vm0, $0xb8;
	[tilespmem:$0x10380] =	vst v63  }
0x19f: {  	_ =	swait.ge [sflag:s0], $0x8000  }
0x1a0: {  	[sflag:s0] =	ssyncset.done $0x0  }
0x1a1: {  	s25 =	simm.s32 $0x100;
	s22 =	rddreg [dreg:$0xc];
	[sflag:s0] =	ssyncadd.s32 $0xFFFF8000  }
0x1a2: {  	[hbm4b:s22+s3] =	stream.linear.scatter [tilespmem:s25], [sflag:$0x3], $0x8000, $0x38;
	[tilespmem:$0x10380] =	vst v63  }
0x1a3: {  	_ =	swait.ge [sflag:s6], $0x8000  }
0x1a4: {  	[sflag:s6] =	ssyncset.done $0x0  }
0x1a5: {  	[sflag:s6] =	ssyncadd.s32 $0xFFFF8000  }
0x1a6: {  	[spmem:s7] =	stream.indirect.scatter.add.f32 [tilespmem:s2], [sflag:$0x3], $0x1, s3, s16, $0xb8;
	[tilespmem:$0x10380] =	vst v63  }
0x1a7: {  	_ =	swait.ge [sflag:s6], $0x80  }
0x1a8: {  	[sflag:s6] =	ssyncset.done $0x0  }
0x1a9: {  	[sflag:s6] =	ssyncadd.s32 $0xFFFFFF80  }
0x1aa: {  	_ =	swait.ge [sflag:s5], $0x8000  }
0x1ab: {  	[sflag:s5] =	ssyncset.done $0x0  }
0x1ac: {  	s26 =	rddreg [dreg:$0xd];
	[sflag:s5] =	ssyncadd.s32 $0xFFFF8000  }
0x1ad: {  	[hbm4b:s26+s3] =	stream.linear.scatter [tilespmem:s17], [sflag:$0x3], $0x8000, $0x38;
	[tilespmem:$0x10380] =	vst v63  }
0x1ae: {  	_ =	swait.ge [sflag:s6], $0x8000  }
0x1af: {  	[sflag:s6] =	ssyncset.done $0x0  }
0x1b0: {  	[sflag:s6] =	ssyncadd.s32 $0xFFFF8000  }
0x1b1: {  	[spmem:s7] =	stream.indirect.scatter.add.f32 [tilespmem:s2], [sflag:$0x3], $0x1, s16, s16, $0xb8;
	[tilespmem:$0x10380] =	vst v63  }
0x1b2: {  	_ =	swait.ge [sflag:s6], $0x80  }
0x1b3: {  	s15 =	sadd.s32 $0xFFFFFFFF, s15;
	[sflag:s6] =	ssyncset.done $0x0  }
0x1b4: {  	p1 =	sne.s32 s15, $0x0;
	s0 =	simm.s32 @!p0 $0x1C03;
	[sflag:s6] =	ssyncadd.s32 $0xFFFFFF80  }
0x1b5: {  	s22 =	simm.s32 @!p0 $0x1;
	s25 =	simm.s32 @!p0 $0x20;
	[bflag:$0x0] =	sbarrier.arrive $0xFFFF  }
.Ltmp0:
0x1b6: {  	s26 =	simm.s32 @!p0 $0x10;
	s21 =	rddreg [dreg:$0xe];
	(pc) =	sbr.rel @p1 .LBB2_1-.Ltmp0, $4  }
0x1b7: {  	[hbm:s21@s25], [sflag:s0] =	dma.strided @!p0 [spmem:s24@s26], $0x400, s22, $0x10   }
0x1b8: {  	_ =	swait.ge @!p0 [sflag:s19], $0x400  }
0x1b9: {  	[sflag:s19] =	ssyncset.done @!p0 $0x0  }
0x1ba: {  	[sflag:s19] =	ssyncadd.s32 @!p0 $0xFFFFFC00  }
0x1bb: {  	_ =	sfence.sel $0x180000  }
0x1bc: {  	[bflag:$0x0] =	sbarrier.arrive $0xFFFF  }
0x1bd: {  	_ =	strace $0x90000047  }
0x1be: {  	[bflag:$0x2] =	sbarrier.arrive $0xFFFF  }
0x1bf: {  	s0 =	rddreg [dreg:$0x4]  }
0x1c0: {  	s0 =	sadd.s32 @!p0 $0x100000, s0  }
0x1c1: {  	[sflag:s0] =	ssyncadd.tile.s32 @!p0 $0x1;
	_ =	shalt  }
.Lfunc_end2:
_tile_overlayer_lowered:
.L_overlay_start_2:
0x1c2: {  	(tag) =	ssettag $0x2  }
0x1c3: {  	s0 =	rddreg [dreg:$0x0];
	s2 =	stileid.u32  }
0x1c4: {  	s1 =	rddreg [dreg:$0x1];
	p0 =	sne.s32 s2, $0x0  }
0x1c5: {  	s3 =	rddreg [dreg:$0x2];
	[bflag:$0x3] =	sbarrier.arrive $0xFFFF;
	s2 =	simm.s32 @!p0 $0x1C03  }
0x1c6: {  	[timem:s3], [sflag:s2] =	dma.local @!p0 [hbm:s0], s1  }
0x1c7: {  	s0 =	simm.s32 @!p0 $0x3  }
0x1c8: {  	_ =	swait.ge @!p0 [sflag:s0], s1  }
0x1c9: {  	s1 =	ssub.s32 @!p0 $0x0, s1;
	[sflag:s0] =	ssyncset.done @!p0 $0x0  }
0x1ca: {  	[sflag:s0] =	ssyncadd.s32 @!p0 s1  }
0x1cb: {  	[bflag:$0x3] =	sbarrier.arrive $0xFFFF  }
0x1cc: {  	_ =	shalt  }

</sc_bundles>
